<compile_context>
chip_gen: v7x
topology: tpu7x:2x2x1
jax: 0.10.2.dev20260603
libtpu: 0.0.44.dev20260713+nightly
codegen_flags: <defaults>
</compile_context>

<pallas_src>
import jax
import jax.numpy as jnp
from jax import lax
from jax.experimental import pallas as pl
from jax.experimental.pallas import tpu as pltpu
from jax.experimental.pallas import tpu_sc as plsc

STU_NUM = 100000
PP_DIM = 128
BATCH = 16384
X_DIM = 128
OUT_DIM = PP_DIM + X_DIM

NC = 2
NS = 16
NW = NC * NS
B_PER_W = BATCH // NW

C = 128
NCHUNK = B_PER_W // C
NBUF = 4

XCHUNK = 8
NXBUF = 4
XROWS = BATCH // NC // XCHUNK


def _gather_concat(x_hbm, idx_hbm, table_hbm, out_hbm,
                   idx_v, rows_v, spx, isem, gsem, rsem, xisem, xosem):
    cid = lax.axis_index("c")
    sid = lax.axis_index("s")
    wid = sid * NC + cid
    base = wid * B_PER_W

    def x_in(k):
        row0 = (cid * XCHUNK + k) * XROWS
        return pltpu.make_async_copy(
            x_hbm.at[pl.ds(row0, XROWS)], spx.at[k % NXBUF],
            xisem.at[k % NXBUF])

    def x_out(k):
        row0 = (cid * XCHUNK + k) * XROWS
        return pltpu.make_async_copy(
            spx.at[k % NXBUF],
            out_hbm.at[pl.ds(row0, XROWS), pl.ds(PP_DIM, X_DIM)],
            xosem.at[k % NXBUF])

    @pl.when(sid == 0)
    def _():
        for k in range(NXBUF):
            x_in(k).start()

    for k in range(NCHUNK):
        pltpu.async_copy(idx_hbm.at[pl.ds(base + k * C, C)], idx_v.at[k],
                         isem)
    for k in range(NCHUNK):
        pltpu.make_async_copy(idx_hbm.at[pl.ds(base + k * C, C)],
                              idx_v.at[k], isem).wait()

    def gather(k, b):
        return pltpu.make_async_copy(table_hbm.at[idx_v.at[k]],
                                     rows_v.at[b], gsem.at[b])

    def rows_write(k, b):
        return pltpu.make_async_copy(
            rows_v.at[b],
            out_hbm.at[pl.ds(base + k * C, C), pl.ds(0, PP_DIM)],
            rsem.at[b])

    for k in range(min(NBUF, NCHUNK)):
        gather(k, k % NBUF).start()

    @pl.when(sid == 0)
    def _():
        for k in range(XCHUNK):
            x_in(k).wait()
            x_out(k).start()
            if k + NXBUF < XCHUNK:
                x_out(k).wait()
                x_in(k + NXBUF).start()

    for k in range(NCHUNK):
        b = k % NBUF
        gather(k, b).wait()
        rows_write(k, b).start()
        nk = k + NBUF
        if nk < NCHUNK:
            rows_write(k, b).wait()
            gather(nk, b).start()
    for k in range(max(0, NCHUNK - NBUF), NCHUNK):
        rows_write(k, k % NBUF).wait()

    @pl.when(sid == 0)
    def _():
        for k in range(max(0, XCHUNK - NXBUF), XCHUNK):
            x_out(k).wait()


@jax.jit
def _run(x, stu_id, ability_emb):
    mesh = plsc.VectorSubcoreMesh(core_axis_name="c", subcore_axis_name="s")
    return pl.kernel(
        _gather_concat,
        out_type=jax.ShapeDtypeStruct((BATCH, OUT_DIM), jnp.float32),
        mesh=mesh,
        scratch_types=[
            pltpu.VMEM((NCHUNK, C), jnp.int32),
            pltpu.VMEM((NBUF, C, PP_DIM), jnp.float32),
            pltpu.VMEM_SHARED((NXBUF, XROWS, X_DIM), jnp.float32),
            pltpu.SemaphoreType.DMA,
            pltpu.SemaphoreType.DMA((NBUF,)),
            pltpu.SemaphoreType.DMA((NBUF,)),
            pltpu.SemaphoreType.DMA((NXBUF,)),
            pltpu.SemaphoreType.DMA((NXBUF,)),
        ],
    )(x, stu_id, ability_emb)


def kernel(x, stu_id, ability_emb):
    return _run(x, stu_id.astype(jnp.int32), ability_emb)

# --- scband reference (transcript-rebuilt; emitter-appended) ---
"""Pipeline reference for scband-transform-stu-2113123910354 (READ-ONLY COPY).

The authoritative reference and input builder live on the scoring server;
editing this copy changes nothing except your own understanding.
"""

import jax, jax.numpy as jnp
import numpy as np

STU_NUM = 100000
PP_DIM = 128
BATCH = 16384
X_DIM = 128

def setup_inputs(seed: int = 0) -> dict:
    key = jax.random.key(seed)
    k1, k2, k3 = jax.random.split(key, 3)
    x = jax.random.normal(k1, (BATCH, X_DIM), dtype=jnp.float32)
    stu_id = jax.random.randint(k2, (BATCH,), 0, STU_NUM, dtype=jnp.int64 if jax.config.jax_enable_x64 else jnp.int32)
    ability_emb = jax.random.normal(k3, (STU_NUM, PP_DIM), dtype=jnp.float32) * 0.02
    return {"x": x, "stu_id": stu_id, "ability_emb": ability_emb}

def reference(x, stu_id, ability_emb):
    ability_x = jnp.take(ability_emb, stu_id, axis=0)
    output = jnp.concatenate([ability_x, x], axis=1)
    return output

if __name__ == "__main__":
    import jax
    _d = setup_inputs()
    print(jax.jit(kernel)(*tuple(_d.values())))

</pallas_src>

<mosaic_0001>
#map = affine_map<(d0, d1) -> (0, 0)>
#map1 = affine_map<(d0, d1) -> (0)>
module attributes {stable_mosaic.version = 14 : i64} {
  func.func @_gather_concat(%arg0: i32, %arg1: i32, %arg2: memref<16384x128xf32, #tpu.memory_space<hbm>>, %arg3: memref<16384xi32, #tpu.memory_space<hbm>>, %arg4: memref<100000x128xf32, #tpu.memory_space<hbm>>, %arg5: memref<16384x256xf32, #tpu.memory_space<hbm>>, %arg6: memref<4x128xi32, #tpu.memory_space<vmem>>, %arg7: memref<4x128x128xf32, #tpu.memory_space<vmem>>, %arg8: memref<4x1024x128xf32, #tpu.memory_space<vmem_shared>>, %arg9: memref<!tpu.dma_semaphore, #tpu.memory_space<semaphore_mem>>, %arg10: memref<4x!tpu.dma_semaphore, #tpu.memory_space<semaphore_mem>>, %arg11: memref<4x!tpu.dma_semaphore, #tpu.memory_space<semaphore_mem>>, %arg12: memref<4x!tpu.dma_semaphore, #tpu.memory_space<semaphore_mem>>, %arg13: memref<4x!tpu.dma_semaphore, #tpu.memory_space<semaphore_mem>>) attributes {dimension_semantics = [#tpu.dimension_semantics<core_parallel>, #tpu.dimension_semantics<subcore_parallel>], iteration_bounds = array<i64: 2, 16>, scalar_prefetch = 0 : i64, scratch_operands = 8 : i64, tpu.core_type = #tpu.core_type<sc_vector_subcore>, window_params = [{transform_indices = #map}, {transform_indices = #map1}, {transform_indices = #map}, {transform_indices = #map}]} {
    %mul3A = arith.constant 2 : i32
    %mul3A_0 = arith.muli %arg1, %mul3A : i32
    %add3A = arith.addi %mul3A_0, %arg0 : i32
    %mul3A_1 = arith.constant 512 : i32
    %mul3A_2 = arith.muli %add3A, %mul3A_1 : i32
    %eq3A = arith.constant 0 : i32
    %eq3A_3 = arith.cmpi eq, %arg1, %eq3A : i32
    %convert_element_type3A = arith.extui %eq3A_3 : i1 to i32
    %cond3A = arith.constant 0 : i32
    %cond3A_4 = arith.cmpi ne, %convert_element_type3A, %cond3A : i32
    scf.if %cond3A_4 {
      %mul3A_365 = arith.constant 8 : i32
      %mul3A_366 = arith.muli %arg0, %mul3A_365 : i32
      %add3A_367 = arith.constant 0 : i32
      %add3A_368 = arith.addi %mul3A_366, %add3A_367 : i32
      %mul3A_369 = arith.constant 1024 : i32
      %mul3A_370 = arith.muli %add3A_368, %mul3A_369 : i32
      %dma_start3A_371 = arith.constant 0 : i32
      %dma_start3A_372 = arith.constant 0 : i32
      %dma_start3A_373 = tpu.memref_slice %arg12[%dma_start3A_372] : memref<4x!tpu.dma_semaphore, #tpu.memory_space<semaphore_mem>> -> memref<1x!tpu.dma_semaphore, #tpu.memory_space<semaphore_mem>>
      %dma_start3A_374 = tpu.memref_squeeze %dma_start3A_373 : memref<1x!tpu.dma_semaphore, #tpu.memory_space<semaphore_mem>> -> memref<!tpu.dma_semaphore, #tpu.memory_space<semaphore_mem>>
      %dma_start3A_375 = arith.constant 0 : i32
      %dma_start3A_376 = arith.constant 0 : i32
      %dma_start3A_377 = tpu.memref_slice %arg8[%dma_start3A_371, %dma_start3A_375, %dma_start3A_376] : memref<4x1024x128xf32, #tpu.memory_space<vmem_shared>> -> memref<1x1024x128xf32, #tpu.memory_space<vmem_shared>>
      %dma_start3A_378 = tpu.memref_squeeze %dma_start3A_377 : memref<1x1024x128xf32, #tpu.memory_space<vmem_shared>> -> memref<1024x128xf32, #tpu.memory_space<vmem_shared>>
      %dma_start3A_379 = arith.constant 0 : i32
      %dma_start3A_380 = tpu.memref_slice %arg2[%mul3A_370, %dma_start3A_379] : memref<16384x128xf32, #tpu.memory_space<hbm>> -> memref<1024x128xf32, #tpu.memory_space<hbm>>
      tpu.enqueue_dma source(%dma_start3A_380 : memref<1024x128xf32, #tpu.memory_space<hbm>>) target(%dma_start3A_378 : memref<1024x128xf32, #tpu.memory_space<vmem_shared>>) target_semaphore(%dma_start3A_374 : memref<!tpu.dma_semaphore, #tpu.memory_space<semaphore_mem>>)
      %mul3A_381 = arith.constant 8 : i32
      %mul3A_382 = arith.muli %arg0, %mul3A_381 : i32
      %add3A_383 = arith.constant 1 : i32
      %add3A_384 = arith.addi %mul3A_382, %add3A_383 : i32
      %mul3A_385 = arith.constant 1024 : i32
      %mul3A_386 = arith.muli %add3A_384, %mul3A_385 : i32
      %dma_start3A_387 = arith.constant 1 : i32
      %dma_start3A_388 = arith.constant 1 : i32
      %dma_start3A_389 = tpu.memref_slice %arg12[%dma_start3A_388] : memref<4x!tpu.dma_semaphore, #tpu.memory_space<semaphore_mem>> -> memref<1x!tpu.dma_semaphore, #tpu.memory_space<semaphore_mem>>
      %dma_start3A_390 = tpu.memref_squeeze %dma_start3A_389 : memref<1x!tpu.dma_semaphore, #tpu.memory_space<semaphore_mem>> -> memref<!tpu.dma_semaphore, #tpu.memory_space<semaphore_mem>>
      %dma_start3A_391 = arith.constant 0 : i32
      %dma_start3A_392 = arith.constant 0 : i32
      %dma_start3A_393 = tpu.memref_slice %arg8[%dma_start3A_387, %dma_start3A_391, %dma_start3A_392] : memref<4x1024x128xf32, #tpu.memory_space<vmem_shared>> -> memref<1x1024x128xf32, #tpu.memory_space<vmem_shared>>
      %dma_start3A_394 = tpu.memref_squeeze %dma_start3A_393 : memref<1x1024x128xf32, #tpu.memory_space<vmem_shared>> -> memref<1024x128xf32, #tpu.memory_space<vmem_shared>>
      %dma_start3A_395 = arith.constant 0 : i32
      %dma_start3A_396 = tpu.memref_slice %arg2[%mul3A_386, %dma_start3A_395] : memref<16384x128xf32, #tpu.memory_space<hbm>> -> memref<1024x128xf32, #tpu.memory_space<hbm>>
      tpu.enqueue_dma source(%dma_start3A_396 : memref<1024x128xf32, #tpu.memory_space<hbm>>) target(%dma_start3A_394 : memref<1024x128xf32, #tpu.memory_space<vmem_shared>>) target_semaphore(%dma_start3A_390 : memref<!tpu.dma_semaphore, #tpu.memory_space<semaphore_mem>>)
      %mul3A_397 = arith.constant 8 : i32
      %mul3A_398 = arith.muli %arg0, %mul3A_397 : i32
      %add3A_399 = arith.constant 2 : i32
      %add3A_400 = arith.addi %mul3A_398, %add3A_399 : i32
      %mul3A_401 = arith.constant 1024 : i32
      %mul3A_402 = arith.muli %add3A_400, %mul3A_401 : i32
      %dma_start3A_403 = arith.constant 2 : i32
      %dma_start3A_404 = arith.constant 2 : i32
      %dma_start3A_405 = tpu.memref_slice %arg12[%dma_start3A_404] : memref<4x!tpu.dma_semaphore, #tpu.memory_space<semaphore_mem>> -> memref<1x!tpu.dma_semaphore, #tpu.memory_space<semaphore_mem>>
      %dma_start3A_406 = tpu.memref_squeeze %dma_start3A_405 : memref<1x!tpu.dma_semaphore, #tpu.memory_space<semaphore_mem>> -> memref<!tpu.dma_semaphore, #tpu.memory_space<semaphore_mem>>
      %dma_start3A_407 = arith.constant 0 : i32
      %dma_start3A_408 = arith.constant 0 : i32
      %dma_start3A_409 = tpu.memref_slice %arg8[%dma_start3A_403, %dma_start3A_407, %dma_start3A_408] : memref<4x1024x128xf32, #tpu.memory_space<vmem_shared>> -> memref<1x1024x128xf32, #tpu.memory_space<vmem_shared>>
      %dma_start3A_410 = tpu.memref_squeeze %dma_start3A_409 : memref<1x1024x128xf32, #tpu.memory_space<vmem_shared>> -> memref<1024x128xf32, #tpu.memory_space<vmem_shared>>
      %dma_start3A_411 = arith.constant 0 : i32
      %dma_start3A_412 = tpu.memref_slice %arg2[%mul3A_402, %dma_start3A_411] : memref<16384x128xf32, #tpu.memory_space<hbm>> -> memref<1024x128xf32, #tpu.memory_space<hbm>>
      tpu.enqueue_dma source(%dma_start3A_412 : memref<1024x128xf32, #tpu.memory_space<hbm>>) target(%dma_start3A_410 : memref<1024x128xf32, #tpu.memory_space<vmem_shared>>) target_semaphore(%dma_start3A_406 : memref<!tpu.dma_semaphore, #tpu.memory_space<semaphore_mem>>)
      %mul3A_413 = arith.constant 8 : i32
      %mul3A_414 = arith.muli %arg0, %mul3A_413 : i32
      %add3A_415 = arith.constant 3 : i32
      %add3A_416 = arith.addi %mul3A_414, %add3A_415 : i32
      %mul3A_417 = arith.constant 1024 : i32
      %mul3A_418 = arith.muli %add3A_416, %mul3A_417 : i32
      %dma_start3A_419 = arith.constant 3 : i32
      %dma_start3A_420 = arith.constant 3 : i32
      %dma_start3A_421 = tpu.memref_slice %arg12[%dma_start3A_420] : memref<4x!tpu.dma_semaphore, #tpu.memory_space<semaphore_mem>> -> memref<1x!tpu.dma_semaphore, #tpu.memory_space<semaphore_mem>>
      %dma_start3A_422 = tpu.memref_squeeze %dma_start3A_421 : memref<1x!tpu.dma_semaphore, #tpu.memory_space<semaphore_mem>> -> memref<!tpu.dma_semaphore, #tpu.memory_space<semaphore_mem>>
      %dma_start3A_423 = arith.constant 0 : i32
      %dma_start3A_424 = arith.constant 0 : i32
      %dma_start3A_425 = tpu.memref_slice %arg8[%dma_start3A_419, %dma_start3A_423, %dma_start3A_424] : memref<4x1024x128xf32, #tpu.memory_space<vmem_shared>> -> memref<1x1024x128xf32, #tpu.memory_space<vmem_shared>>
      %dma_start3A_426 = tpu.memref_squeeze %dma_start3A_425 : memref<1x1024x128xf32, #tpu.memory_space<vmem_shared>> -> memref<1024x128xf32, #tpu.memory_space<vmem_shared>>
      %dma_start3A_427 = arith.constant 0 : i32
      %dma_start3A_428 = tpu.memref_slice %arg2[%mul3A_418, %dma_start3A_427] : memref<16384x128xf32, #tpu.memory_space<hbm>> -> memref<1024x128xf32, #tpu.memory_space<hbm>>
      tpu.enqueue_dma source(%dma_start3A_428 : memref<1024x128xf32, #tpu.memory_space<hbm>>) target(%dma_start3A_426 : memref<1024x128xf32, #tpu.memory_space<vmem_shared>>) target_semaphore(%dma_start3A_422 : memref<!tpu.dma_semaphore, #tpu.memory_space<semaphore_mem>>)
    } else {
    }
    %add3A_5 = arith.constant 0 : i32
    %add3A_6 = arith.addi %mul3A_2, %add3A_5 : i32
    %dma_start3A = arith.constant 0 : i32
    %dma_start3A_7 = arith.constant 0 : i32
    %dma_start3A_8 = tpu.memref_slice %arg6[%dma_start3A, %dma_start3A_7] : memref<4x128xi32, #tpu.memory_space<vmem>> -> memref<1x128xi32, #tpu.memory_space<vmem>>
    %dma_start3A_9 = tpu.memref_squeeze %dma_start3A_8 : memref<1x128xi32, #tpu.memory_space<vmem>> -> memref<128xi32, #tpu.memory_space<vmem>>
    %dma_start3A_10 = tpu.memref_slice %arg3[%add3A_6] : memref<16384xi32, #tpu.memory_space<hbm>> -> memref<128xi32, #tpu.memory_space<hbm>>
    %dma_start3A_11 = arith.constant 0 : i32
    %dma_start3A_12 = tpu.memref_slice %arg6[%dma_start3A, %dma_start3A_11] : memref<4x128xi32, #tpu.memory_space<vmem>> -> memref<1x128xi32, #tpu.memory_space<vmem>>
    %dma_start3A_13 = tpu.memref_squeeze %dma_start3A_12 : memref<1x128xi32, #tpu.memory_space<vmem>> -> memref<128xi32, #tpu.memory_space<vmem>>
    %dma_start3A_14 = tpu.memref_slice %arg3[%add3A_6] : memref<16384xi32, #tpu.memory_space<hbm>> -> memref<128xi32, #tpu.memory_space<hbm>>
    tpu.enqueue_dma source(%dma_start3A_14 : memref<128xi32, #tpu.memory_space<hbm>>) target(%dma_start3A_13 : memref<128xi32, #tpu.memory_space<vmem>>) target_semaphore(%arg9 : memref<!tpu.dma_semaphore, #tpu.memory_space<semaphore_mem>>)
    %add3A_15 = arith.constant 128 : i32
    %add3A_16 = arith.addi %mul3A_2, %add3A_15 : i32
    %dma_start3A_17 = arith.constant 1 : i32
    %dma_start3A_18 = arith.constant 0 : i32
    %dma_start3A_19 = tpu.memref_slice %arg6[%dma_start3A_17, %dma_start3A_18] : memref<4x128xi32, #tpu.memory_space<vmem>> -> memref<1x128xi32, #tpu.memory_space<vmem>>
    %dma_start3A_20 = tpu.memref_squeeze %dma_start3A_19 : memref<1x128xi32, #tpu.memory_space<vmem>> -> memref<128xi32, #tpu.memory_space<vmem>>
    %dma_start3A_21 = tpu.memref_slice %arg3[%add3A_16] : memref<16384xi32, #tpu.memory_space<hbm>> -> memref<128xi32, #tpu.memory_space<hbm>>
    %dma_start3A_22 = arith.constant 0 : i32
    %dma_start3A_23 = tpu.memref_slice %arg6[%dma_start3A_17, %dma_start3A_22] : memref<4x128xi32, #tpu.memory_space<vmem>> -> memref<1x128xi32, #tpu.memory_space<vmem>>
    %dma_start3A_24 = tpu.memref_squeeze %dma_start3A_23 : memref<1x128xi32, #tpu.memory_space<vmem>> -> memref<128xi32, #tpu.memory_space<vmem>>
    %dma_start3A_25 = tpu.memref_slice %arg3[%add3A_16] : memref<16384xi32, #tpu.memory_space<hbm>> -> memref<128xi32, #tpu.memory_space<hbm>>
    tpu.enqueue_dma source(%dma_start3A_25 : memref<128xi32, #tpu.memory_space<hbm>>) target(%dma_start3A_24 : memref<128xi32, #tpu.memory_space<vmem>>) target_semaphore(%arg9 : memref<!tpu.dma_semaphore, #tpu.memory_space<semaphore_mem>>)
    %add3A_26 = arith.constant 256 : i32
    %add3A_27 = arith.addi %mul3A_2, %add3A_26 : i32
    %dma_start3A_28 = arith.constant 2 : i32
    %dma_start3A_29 = arith.constant 0 : i32
    %dma_start3A_30 = tpu.memref_slice %arg6[%dma_start3A_28, %dma_start3A_29] : memref<4x128xi32, #tpu.memory_space<vmem>> -> memref<1x128xi32, #tpu.memory_space<vmem>>
    %dma_start3A_31 = tpu.memref_squeeze %dma_start3A_30 : memref<1x128xi32, #tpu.memory_space<vmem>> -> memref<128xi32, #tpu.memory_space<vmem>>
    %dma_start3A_32 = tpu.memref_slice %arg3[%add3A_27] : memref<16384xi32, #tpu.memory_space<hbm>> -> memref<128xi32, #tpu.memory_space<hbm>>
    %dma_start3A_33 = arith.constant 0 : i32
    %dma_start3A_34 = tpu.memref_slice %arg6[%dma_start3A_28, %dma_start3A_33] : memref<4x128xi32, #tpu.memory_space<vmem>> -> memref<1x128xi32, #tpu.memory_space<vmem>>
    %dma_start3A_35 = tpu.memref_squeeze %dma_start3A_34 : memref<1x128xi32, #tpu.memory_space<vmem>> -> memref<128xi32, #tpu.memory_space<vmem>>
    %dma_start3A_36 = tpu.memref_slice %arg3[%add3A_27] : memref<16384xi32, #tpu.memory_space<hbm>> -> memref<128xi32, #tpu.memory_space<hbm>>
    tpu.enqueue_dma source(%dma_start3A_36 : memref<128xi32, #tpu.memory_space<hbm>>) target(%dma_start3A_35 : memref<128xi32, #tpu.memory_space<vmem>>) target_semaphore(%arg9 : memref<!tpu.dma_semaphore, #tpu.memory_space<semaphore_mem>>)
    %add3A_37 = arith.constant 384 : i32
    %add3A_38 = arith.addi %mul3A_2, %add3A_37 : i32
    %dma_start3A_39 = arith.constant 3 : i32
    %dma_start3A_40 = arith.constant 0 : i32
    %dma_start3A_41 = tpu.memref_slice %arg6[%dma_start3A_39, %dma_start3A_40] : memref<4x128xi32, #tpu.memory_space<vmem>> -> memref<1x128xi32, #tpu.memory_space<vmem>>
    %dma_start3A_42 = tpu.memref_squeeze %dma_start3A_41 : memref<1x128xi32, #tpu.memory_space<vmem>> -> memref<128xi32, #tpu.memory_space<vmem>>
    %dma_start3A_43 = tpu.memref_slice %arg3[%add3A_38] : memref<16384xi32, #tpu.memory_space<hbm>> -> memref<128xi32, #tpu.memory_space<hbm>>
    %dma_start3A_44 = arith.constant 0 : i32
    %dma_start3A_45 = tpu.memref_slice %arg6[%dma_start3A_39, %dma_start3A_44] : memref<4x128xi32, #tpu.memory_space<vmem>> -> memref<1x128xi32, #tpu.memory_space<vmem>>
    %dma_start3A_46 = tpu.memref_squeeze %dma_start3A_45 : memref<1x128xi32, #tpu.memory_space<vmem>> -> memref<128xi32, #tpu.memory_space<vmem>>
    %dma_start3A_47 = tpu.memref_slice %arg3[%add3A_38] : memref<16384xi32, #tpu.memory_space<hbm>> -> memref<128xi32, #tpu.memory_space<hbm>>
    tpu.enqueue_dma source(%dma_start3A_47 : memref<128xi32, #tpu.memory_space<hbm>>) target(%dma_start3A_46 : memref<128xi32, #tpu.memory_space<vmem>>) target_semaphore(%arg9 : memref<!tpu.dma_semaphore, #tpu.memory_space<semaphore_mem>>)
    %add3A_48 = arith.constant 0 : i32
    %add3A_49 = arith.addi %mul3A_2, %add3A_48 : i32
    %dma_wait3A = arith.constant 0 : i32
    %dma_wait3A_50 = arith.constant 0 : i32
    %dma_wait3A_51 = tpu.memref_slice %arg6[%dma_wait3A, %dma_wait3A_50] : memref<4x128xi32, #tpu.memory_space<vmem>> -> memref<1x128xi32, #tpu.memory_space<vmem>>
    %dma_wait3A_52 = tpu.memref_squeeze %dma_wait3A_51 : memref<1x128xi32, #tpu.memory_space<vmem>> -> memref<128xi32, #tpu.memory_space<vmem>>
    %dma_wait3A_53 = tpu.memref_slice %arg3[%add3A_49] : memref<16384xi32, #tpu.memory_space<hbm>> -> memref<128xi32, #tpu.memory_space<hbm>>
    %dma_wait3A_54 = arith.constant 0 : i32
    %dma_wait3A_55 = tpu.memref_slice %arg6[%dma_wait3A, %dma_wait3A_54] : memref<4x128xi32, #tpu.memory_space<vmem>> -> memref<1x128xi32, #tpu.memory_space<vmem>>
    %dma_wait3A_56 = tpu.memref_squeeze %dma_wait3A_55 : memref<1x128xi32, #tpu.memory_space<vmem>> -> memref<128xi32, #tpu.memory_space<vmem>>
    %dma_wait3A_57 = tpu.memref_slice %arg3[%add3A_49] : memref<16384xi32, #tpu.memory_space<hbm>> -> memref<128xi32, #tpu.memory_space<hbm>>
    tpu.wait_dma2 semaphore(%arg9 : memref<!tpu.dma_semaphore, #tpu.memory_space<semaphore_mem>>) src(%dma_wait3A_57 : memref<128xi32, #tpu.memory_space<hbm>>) dst(%dma_wait3A_56 : memref<128xi32, #tpu.memory_space<vmem>>)
    %add3A_58 = arith.constant 128 : i32
    %add3A_59 = arith.addi %mul3A_2, %add3A_58 : i32
    %dma_wait3A_60 = arith.constant 1 : i32
    %dma_wait3A_61 = arith.constant 0 : i32
    %dma_wait3A_62 = tpu.memref_slice %arg6[%dma_wait3A_60, %dma_wait3A_61] : memref<4x128xi32, #tpu.memory_space<vmem>> -> memref<1x128xi32, #tpu.memory_space<vmem>>
    %dma_wait3A_63 = tpu.memref_squeeze %dma_wait3A_62 : memref<1x128xi32, #tpu.memory_space<vmem>> -> memref<128xi32, #tpu.memory_space<vmem>>
    %dma_wait3A_64 = tpu.memref_slice %arg3[%add3A_59] : memref<16384xi32, #tpu.memory_space<hbm>> -> memref<128xi32, #tpu.memory_space<hbm>>
    %dma_wait3A_65 = arith.constant 0 : i32
    %dma_wait3A_66 = tpu.memref_slice %arg6[%dma_wait3A_60, %dma_wait3A_65] : memref<4x128xi32, #tpu.memory_space<vmem>> -> memref<1x128xi32, #tpu.memory_space<vmem>>
    %dma_wait3A_67 = tpu.memref_squeeze %dma_wait3A_66 : memref<1x128xi32, #tpu.memory_space<vmem>> -> memref<128xi32, #tpu.memory_space<vmem>>
    %dma_wait3A_68 = tpu.memref_slice %arg3[%add3A_59] : memref<16384xi32, #tpu.memory_space<hbm>> -> memref<128xi32, #tpu.memory_space<hbm>>
    tpu.wait_dma2 semaphore(%arg9 : memref<!tpu.dma_semaphore, #tpu.memory_space<semaphore_mem>>) src(%dma_wait3A_68 : memref<128xi32, #tpu.memory_space<hbm>>) dst(%dma_wait3A_67 : memref<128xi32, #tpu.memory_space<vmem>>)
    %add3A_69 = arith.constant 256 : i32
    %add3A_70 = arith.addi %mul3A_2, %add3A_69 : i32
    %dma_wait3A_71 = arith.constant 2 : i32
    %dma_wait3A_72 = arith.constant 0 : i32
    %dma_wait3A_73 = tpu.memref_slice %arg6[%dma_wait3A_71, %dma_wait3A_72] : memref<4x128xi32, #tpu.memory_space<vmem>> -> memref<1x128xi32, #tpu.memory_space<vmem>>
    %dma_wait3A_74 = tpu.memref_squeeze %dma_wait3A_73 : memref<1x128xi32, #tpu.memory_space<vmem>> -> memref<128xi32, #tpu.memory_space<vmem>>
    %dma_wait3A_75 = tpu.memref_slice %arg3[%add3A_70] : memref<16384xi32, #tpu.memory_space<hbm>> -> memref<128xi32, #tpu.memory_space<hbm>>
    %dma_wait3A_76 = arith.constant 0 : i32
    %dma_wait3A_77 = tpu.memref_slice %arg6[%dma_wait3A_71, %dma_wait3A_76] : memref<4x128xi32, #tpu.memory_space<vmem>> -> memref<1x128xi32, #tpu.memory_space<vmem>>
    %dma_wait3A_78 = tpu.memref_squeeze %dma_wait3A_77 : memref<1x128xi32, #tpu.memory_space<vmem>> -> memref<128xi32, #tpu.memory_space<vmem>>
    %dma_wait3A_79 = tpu.memref_slice %arg3[%add3A_70] : memref<16384xi32, #tpu.memory_space<hbm>> -> memref<128xi32, #tpu.memory_space<hbm>>
    tpu.wait_dma2 semaphore(%arg9 : memref<!tpu.dma_semaphore, #tpu.memory_space<semaphore_mem>>) src(%dma_wait3A_79 : memref<128xi32, #tpu.memory_space<hbm>>) dst(%dma_wait3A_78 : memref<128xi32, #tpu.memory_space<vmem>>)
    %add3A_80 = arith.constant 384 : i32
    %add3A_81 = arith.addi %mul3A_2, %add3A_80 : i32
    %dma_wait3A_82 = arith.constant 3 : i32
    %dma_wait3A_83 = arith.constant 0 : i32
    %dma_wait3A_84 = tpu.memref_slice %arg6[%dma_wait3A_82, %dma_wait3A_83] : memref<4x128xi32, #tpu.memory_space<vmem>> -> memref<1x128xi32, #tpu.memory_space<vmem>>
    %dma_wait3A_85 = tpu.memref_squeeze %dma_wait3A_84 : memref<1x128xi32, #tpu.memory_space<vmem>> -> memref<128xi32, #tpu.memory_space<vmem>>
    %dma_wait3A_86 = tpu.memref_slice %arg3[%add3A_81] : memref<16384xi32, #tpu.memory_space<hbm>> -> memref<128xi32, #tpu.memory_space<hbm>>
    %dma_wait3A_87 = arith.constant 0 : i32
    %dma_wait3A_88 = tpu.memref_slice %arg6[%dma_wait3A_82, %dma_wait3A_87] : memref<4x128xi32, #tpu.memory_space<vmem>> -> memref<1x128xi32, #tpu.memory_space<vmem>>
    %dma_wait3A_89 = tpu.memref_squeeze %dma_wait3A_88 : memref<1x128xi32, #tpu.memory_space<vmem>> -> memref<128xi32, #tpu.memory_space<vmem>>
    %dma_wait3A_90 = tpu.memref_slice %arg3[%add3A_81] : memref<16384xi32, #tpu.memory_space<hbm>> -> memref<128xi32, #tpu.memory_space<hbm>>
    tpu.wait_dma2 semaphore(%arg9 : memref<!tpu.dma_semaphore, #tpu.memory_space<semaphore_mem>>) src(%dma_wait3A_90 : memref<128xi32, #tpu.memory_space<hbm>>) dst(%dma_wait3A_89 : memref<128xi32, #tpu.memory_space<vmem>>)
    %dma_start3A_91 = arith.constant 0 : i32
    %dma_start3A_92 = arith.constant 0 : i32
    %dma_start3A_93 = arith.constant 0 : i32
    %dma_start3A_94 = arith.constant 0 : i32
    %dma_start3A_95 = arith.constant 0 : i32
    %dma_start3A_96 = tpu.memref_slice %arg7[%dma_start3A_92, %dma_start3A_94, %dma_start3A_95] : memref<4x128x128xf32, #tpu.memory_space<vmem>> -> memref<1x128x128xf32, #tpu.memory_space<vmem>>
    %dma_start3A_97 = tpu.memref_squeeze %dma_start3A_96 : memref<1x128x128xf32, #tpu.memory_space<vmem>> -> memref<128x128xf32, #tpu.memory_space<vmem>>
    %dma_start3A_98 = arith.constant 0 : i32
    %dma_start3A_99 = tpu.memref_slice %arg6[%dma_start3A_91, %dma_start3A_98] : memref<4x128xi32, #tpu.memory_space<vmem>> -> memref<1x128xi32, #tpu.memory_space<vmem>>
    %dma_start3A_100 = tpu.memref_squeeze %dma_start3A_99 : memref<1x128xi32, #tpu.memory_space<vmem>> -> memref<128xi32, #tpu.memory_space<vmem>>
    %dma_start3A_101 = arith.constant 0 : i32
    %dma_start3A_102 = arith.constant 0 : i32
    %dma_start3A_103 = tpu.memref_slice %arg4[%dma_start3A_101, %dma_start3A_102] : memref<100000x128xf32, #tpu.memory_space<hbm>> -> memref<100000x128xf32, #tpu.memory_space<hbm>>
    %dma_start3A_104 = tpu.memref_slice %arg10[%dma_start3A_93] : memref<4x!tpu.dma_semaphore, #tpu.memory_space<semaphore_mem>> -> memref<1x!tpu.dma_semaphore, #tpu.memory_space<semaphore_mem>>
    %dma_start3A_105 = tpu.memref_squeeze %dma_start3A_104 : memref<1x!tpu.dma_semaphore, #tpu.memory_space<semaphore_mem>> -> memref<!tpu.dma_semaphore, #tpu.memory_space<semaphore_mem>>
    tpu.enqueue_indirect_dma source(%dma_start3A_103 : memref<100000x128xf32, #tpu.memory_space<hbm>>) target(%dma_start3A_97 : memref<128x128xf32, #tpu.memory_space<vmem>>) offsets(%dma_start3A_100 : memref<128xi32, #tpu.memory_space<vmem>>) semaphore(%dma_start3A_105 : memref<!tpu.dma_semaphore, #tpu.memory_space<semaphore_mem>>)
    %dma_start3A_106 = arith.constant 1 : i32
    %dma_start3A_107 = arith.constant 1 : i32
    %dma_start3A_108 = arith.constant 1 : i32
    %dma_start3A_109 = arith.constant 0 : i32
    %dma_start3A_110 = arith.constant 0 : i32
    %dma_start3A_111 = tpu.memref_slice %arg7[%dma_start3A_107, %dma_start3A_109, %dma_start3A_110] : memref<4x128x128xf32, #tpu.memory_space<vmem>> -> memref<1x128x128xf32, #tpu.memory_space<vmem>>
    %dma_start3A_112 = tpu.memref_squeeze %dma_start3A_111 : memref<1x128x128xf32, #tpu.memory_space<vmem>> -> memref<128x128xf32, #tpu.memory_space<vmem>>
    %dma_start3A_113 = arith.constant 0 : i32
    %dma_start3A_114 = tpu.memref_slice %arg6[%dma_start3A_106, %dma_start3A_113] : memref<4x128xi32, #tpu.memory_space<vmem>> -> memref<1x128xi32, #tpu.memory_space<vmem>>
    %dma_start3A_115 = tpu.memref_squeeze %dma_start3A_114 : memref<1x128xi32, #tpu.memory_space<vmem>> -> memref<128xi32, #tpu.memory_space<vmem>>
    %dma_start3A_116 = arith.constant 0 : i32
    %dma_start3A_117 = arith.constant 0 : i32
    %dma_start3A_118 = tpu.memref_slice %arg4[%dma_start3A_116, %dma_start3A_117] : memref<100000x128xf32, #tpu.memory_space<hbm>> -> memref<100000x128xf32, #tpu.memory_space<hbm>>
    %dma_start3A_119 = tpu.memref_slice %arg10[%dma_start3A_108] : memref<4x!tpu.dma_semaphore, #tpu.memory_space<semaphore_mem>> -> memref<1x!tpu.dma_semaphore, #tpu.memory_space<semaphore_mem>>
    %dma_start3A_120 = tpu.memref_squeeze %dma_start3A_119 : memref<1x!tpu.dma_semaphore, #tpu.memory_space<semaphore_mem>> -> memref<!tpu.dma_semaphore, #tpu.memory_space<semaphore_mem>>
    tpu.enqueue_indirect_dma source(%dma_start3A_118 : memref<100000x128xf32, #tpu.memory_space<hbm>>) target(%dma_start3A_112 : memref<128x128xf32, #tpu.memory_space<vmem>>) offsets(%dma_start3A_115 : memref<128xi32, #tpu.memory_space<vmem>>) semaphore(%dma_start3A_120 : memref<!tpu.dma_semaphore, #tpu.memory_space<semaphore_mem>>)
    %dma_start3A_121 = arith.constant 2 : i32
    %dma_start3A_122 = arith.constant 2 : i32
    %dma_start3A_123 = arith.constant 2 : i32
    %dma_start3A_124 = arith.constant 0 : i32
    %dma_start3A_125 = arith.constant 0 : i32
    %dma_start3A_126 = tpu.memref_slice %arg7[%dma_start3A_122, %dma_start3A_124, %dma_start3A_125] : memref<4x128x128xf32, #tpu.memory_space<vmem>> -> memref<1x128x128xf32, #tpu.memory_space<vmem>>
    %dma_start3A_127 = tpu.memref_squeeze %dma_start3A_126 : memref<1x128x128xf32, #tpu.memory_space<vmem>> -> memref<128x128xf32, #tpu.memory_space<vmem>>
    %dma_start3A_128 = arith.constant 0 : i32
    %dma_start3A_129 = tpu.memref_slice %arg6[%dma_start3A_121, %dma_start3A_128] : memref<4x128xi32, #tpu.memory_space<vmem>> -> memref<1x128xi32, #tpu.memory_space<vmem>>
    %dma_start3A_130 = tpu.memref_squeeze %dma_start3A_129 : memref<1x128xi32, #tpu.memory_space<vmem>> -> memref<128xi32, #tpu.memory_space<vmem>>
    %dma_start3A_131 = arith.constant 0 : i32
    %dma_start3A_132 = arith.constant 0 : i32
    %dma_start3A_133 = tpu.memref_slice %arg4[%dma_start3A_131, %dma_start3A_132] : memref<100000x128xf32, #tpu.memory_space<hbm>> -> memref<100000x128xf32, #tpu.memory_space<hbm>>
    %dma_start3A_134 = tpu.memref_slice %arg10[%dma_start3A_123] : memref<4x!tpu.dma_semaphore, #tpu.memory_space<semaphore_mem>> -> memref<1x!tpu.dma_semaphore, #tpu.memory_space<semaphore_mem>>
    %dma_start3A_135 = tpu.memref_squeeze %dma_start3A_134 : memref<1x!tpu.dma_semaphore, #tpu.memory_space<semaphore_mem>> -> memref<!tpu.dma_semaphore, #tpu.memory_space<semaphore_mem>>
    tpu.enqueue_indirect_dma source(%dma_start3A_133 : memref<100000x128xf32, #tpu.memory_space<hbm>>) target(%dma_start3A_127 : memref<128x128xf32, #tpu.memory_space<vmem>>) offsets(%dma_start3A_130 : memref<128xi32, #tpu.memory_space<vmem>>) semaphore(%dma_start3A_135 : memref<!tpu.dma_semaphore, #tpu.memory_space<semaphore_mem>>)
    %dma_start3A_136 = arith.constant 3 : i32
    %dma_start3A_137 = arith.constant 3 : i32
    %dma_start3A_138 = arith.constant 3 : i32
    %dma_start3A_139 = arith.constant 0 : i32
    %dma_start3A_140 = arith.constant 0 : i32
    %dma_start3A_141 = tpu.memref_slice %arg7[%dma_start3A_137, %dma_start3A_139, %dma_start3A_140] : memref<4x128x128xf32, #tpu.memory_space<vmem>> -> memref<1x128x128xf32, #tpu.memory_space<vmem>>
    %dma_start3A_142 = tpu.memref_squeeze %dma_start3A_141 : memref<1x128x128xf32, #tpu.memory_space<vmem>> -> memref<128x128xf32, #tpu.memory_space<vmem>>
    %dma_start3A_143 = arith.constant 0 : i32
    %dma_start3A_144 = tpu.memref_slice %arg6[%dma_start3A_136, %dma_start3A_143] : memref<4x128xi32, #tpu.memory_space<vmem>> -> memref<1x128xi32, #tpu.memory_space<vmem>>
    %dma_start3A_145 = tpu.memref_squeeze %dma_start3A_144 : memref<1x128xi32, #tpu.memory_space<vmem>> -> memref<128xi32, #tpu.memory_space<vmem>>
    %dma_start3A_146 = arith.constant 0 : i32
    %dma_start3A_147 = arith.constant 0 : i32
    %dma_start3A_148 = tpu.memref_slice %arg4[%dma_start3A_146, %dma_start3A_147] : memref<100000x128xf32, #tpu.memory_space<hbm>> -> memref<100000x128xf32, #tpu.memory_space<hbm>>
    %dma_start3A_149 = tpu.memref_slice %arg10[%dma_start3A_138] : memref<4x!tpu.dma_semaphore, #tpu.memory_space<semaphore_mem>> -> memref<1x!tpu.dma_semaphore, #tpu.memory_space<semaphore_mem>>
    %dma_start3A_150 = tpu.memref_squeeze %dma_start3A_149 : memref<1x!tpu.dma_semaphore, #tpu.memory_space<semaphore_mem>> -> memref<!tpu.dma_semaphore, #tpu.memory_space<semaphore_mem>>
    tpu.enqueue_indirect_dma source(%dma_start3A_148 : memref<100000x128xf32, #tpu.memory_space<hbm>>) target(%dma_start3A_142 : memref<128x128xf32, #tpu.memory_space<vmem>>) offsets(%dma_start3A_145 : memref<128xi32, #tpu.memory_space<vmem>>) semaphore(%dma_start3A_150 : memref<!tpu.dma_semaphore, #tpu.memory_space<semaphore_mem>>)
    %eq3A_151 = arith.constant 0 : i32
    %eq3A_152 = arith.cmpi eq, %arg1, %eq3A_151 : i32
    %convert_element_type3A_153 = arith.extui %eq3A_152 : i1 to i32
    %cond3A_154 = arith.constant 0 : i32
    %cond3A_155 = arith.cmpi ne, %convert_element_type3A_153, %cond3A_154 : i32
    scf.if %cond3A_155 {
      %mul3A_365 = arith.constant 8 : i32
      %mul3A_366 = arith.muli %arg0, %mul3A_365 : i32
      %add3A_367 = arith.constant 0 : i32
      %add3A_368 = arith.addi %mul3A_366, %add3A_367 : i32
      %mul3A_369 = arith.constant 1024 : i32
      %mul3A_370 = arith.muli %add3A_368, %mul3A_369 : i32
      %dma_wait3A_371 = arith.constant 0 : i32
      %dma_wait3A_372 = arith.constant 0 : i32
      %dma_wait3A_373 = tpu.memref_slice %arg12[%dma_wait3A_372] : memref<4x!tpu.dma_semaphore, #tpu.memory_space<semaphore_mem>> -> memref<1x!tpu.dma_semaphore, #tpu.memory_space<semaphore_mem>>
      %dma_wait3A_374 = tpu.memref_squeeze %dma_wait3A_373 : memref<1x!tpu.dma_semaphore, #tpu.memory_space<semaphore_mem>> -> memref<!tpu.dma_semaphore, #tpu.memory_space<semaphore_mem>>
      %dma_wait3A_375 = arith.constant 0 : i32
      %dma_wait3A_376 = arith.constant 0 : i32
      %dma_wait3A_377 = tpu.memref_slice %arg8[%dma_wait3A_371, %dma_wait3A_375, %dma_wait3A_376] : memref<4x1024x128xf32, #tpu.memory_space<vmem_shared>> -> memref<1x1024x128xf32, #tpu.memory_space<vmem_shared>>
      %dma_wait3A_378 = tpu.memref_squeeze %dma_wait3A_377 : memref<1x1024x128xf32, #tpu.memory_space<vmem_shared>> -> memref<1024x128xf32, #tpu.memory_space<vmem_shared>>
      %dma_wait3A_379 = arith.constant 0 : i32
      %dma_wait3A_380 = tpu.memref_slice %arg2[%mul3A_370, %dma_wait3A_379] : memref<16384x128xf32, #tpu.memory_space<hbm>> -> memref<1024x128xf32, #tpu.memory_space<hbm>>
      tpu.wait_dma2 semaphore(%dma_wait3A_374 : memref<!tpu.dma_semaphore, #tpu.memory_space<semaphore_mem>>) src(%dma_wait3A_380 : memref<1024x128xf32, #tpu.memory_space<hbm>>) dst(%dma_wait3A_378 : memref<1024x128xf32, #tpu.memory_space<vmem_shared>>)
      %mul3A_381 = arith.constant 8 : i32
      %mul3A_382 = arith.muli %arg0, %mul3A_381 : i32
      %add3A_383 = arith.constant 0 : i32
      %add3A_384 = arith.addi %mul3A_382, %add3A_383 : i32
      %mul3A_385 = arith.constant 1024 : i32
      %mul3A_386 = arith.muli %add3A_384, %mul3A_385 : i32
      %dma_start3A_387 = arith.constant 0 : i32
      %dma_start3A_388 = arith.constant 0 : i32
      %dma_start3A_389 = tpu.memref_slice %arg13[%dma_start3A_388] : memref<4x!tpu.dma_semaphore, #tpu.memory_space<semaphore_mem>> -> memref<1x!tpu.dma_semaphore, #tpu.memory_space<semaphore_mem>>
      %dma_start3A_390 = tpu.memref_squeeze %dma_start3A_389 : memref<1x!tpu.dma_semaphore, #tpu.memory_space<semaphore_mem>> -> memref<!tpu.dma_semaphore, #tpu.memory_space<semaphore_mem>>
      %dma_start3A_391 = arith.constant 128 : i32
      %dma_start3A_392 = tpu.memref_slice %arg5[%mul3A_386, %dma_start3A_391] : memref<16384x256xf32, #tpu.memory_space<hbm>> -> memref<1024x128xf32, #tpu.memory_space<hbm>>
      %dma_start3A_393 = arith.constant 0 : i32
      %dma_start3A_394 = arith.constant 0 : i32
      %dma_start3A_395 = tpu.memref_slice %arg8[%dma_start3A_387, %dma_start3A_393, %dma_start3A_394] : memref<4x1024x128xf32, #tpu.memory_space<vmem_shared>> -> memref<1x1024x128xf32, #tpu.memory_space<vmem_shared>>
      %dma_start3A_396 = tpu.memref_squeeze %dma_start3A_395 : memref<1x1024x128xf32, #tpu.memory_space<vmem_shared>> -> memref<1024x128xf32, #tpu.memory_space<vmem_shared>>
      tpu.enqueue_dma source(%dma_start3A_396 : memref<1024x128xf32, #tpu.memory_space<vmem_shared>>) target(%dma_start3A_392 : memref<1024x128xf32, #tpu.memory_space<hbm>>) target_semaphore(%dma_start3A_390 : memref<!tpu.dma_semaphore, #tpu.memory_space<semaphore_mem>>)
      %mul3A_397 = arith.constant 8 : i32
      %mul3A_398 = arith.muli %arg0, %mul3A_397 : i32
      %add3A_399 = arith.constant 0 : i32
      %add3A_400 = arith.addi %mul3A_398, %add3A_399 : i32
      %mul3A_401 = arith.constant 1024 : i32
      %mul3A_402 = arith.muli %add3A_400, %mul3A_401 : i32
      %dma_wait3A_403 = arith.constant 0 : i32
      %dma_wait3A_404 = arith.constant 0 : i32
      %dma_wait3A_405 = tpu.memref_slice %arg13[%dma_wait3A_404] : memref<4x!tpu.dma_semaphore, #tpu.memory_space<semaphore_mem>> -> memref<1x!tpu.dma_semaphore, #tpu.memory_space<semaphore_mem>>
      %dma_wait3A_406 = tpu.memref_squeeze %dma_wait3A_405 : memref<1x!tpu.dma_semaphore, #tpu.memory_space<semaphore_mem>> -> memref<!tpu.dma_semaphore, #tpu.memory_space<semaphore_mem>>
      %dma_wait3A_407 = arith.constant 128 : i32
      %dma_wait3A_408 = tpu.memref_slice %arg5[%mul3A_402, %dma_wait3A_407] : memref<16384x256xf32, #tpu.memory_space<hbm>> -> memref<1024x128xf32, #tpu.memory_space<hbm>>
      %dma_wait3A_409 = arith.constant 0 : i32
      %dma_wait3A_410 = arith.constant 0 : i32
      %dma_wait3A_411 = tpu.memref_slice %arg8[%dma_wait3A_403, %dma_wait3A_409, %dma_wait3A_410] : memref<4x1024x128xf32, #tpu.memory_space<vmem_shared>> -> memref<1x1024x128xf32, #tpu.memory_space<vmem_shared>>
      %dma_wait3A_412 = tpu.memref_squeeze %dma_wait3A_411 : memref<1x1024x128xf32, #tpu.memory_space<vmem_shared>> -> memref<1024x128xf32, #tpu.memory_space<vmem_shared>>
      tpu.wait_dma2 semaphore(%dma_wait3A_406 : memref<!tpu.dma_semaphore, #tpu.memory_space<semaphore_mem>>) src(%dma_wait3A_412 : memref<1024x128xf32, #tpu.memory_space<vmem_shared>>) dst(%dma_wait3A_408 : memref<1024x128xf32, #tpu.memory_space<hbm>>)
      %mul3A_413 = arith.constant 8 : i32
      %mul3A_414 = arith.muli %arg0, %mul3A_413 : i32
      %add3A_415 = arith.constant 4 : i32
      %add3A_416 = arith.addi %mul3A_414, %add3A_415 : i32
      %mul3A_417 = arith.constant 1024 : i32
      %mul3A_418 = arith.muli %add3A_416, %mul3A_417 : i32
      %dma_start3A_419 = arith.constant 0 : i32
      %dma_start3A_420 = arith.constant 0 : i32
      %dma_start3A_421 = tpu.memref_slice %arg12[%dma_start3A_420] : memref<4x!tpu.dma_semaphore, #tpu.memory_space<semaphore_mem>> -> memref<1x!tpu.dma_semaphore, #tpu.memory_space<semaphore_mem>>
      %dma_start3A_422 = tpu.memref_squeeze %dma_start3A_421 : memref<1x!tpu.dma_semaphore, #tpu.memory_space<semaphore_mem>> -> memref<!tpu.dma_semaphore, #tpu.memory_space<semaphore_mem>>
      %dma_start3A_423 = arith.constant 0 : i32
      %dma_start3A_424 = arith.constant 0 : i32
      %dma_start3A_425 = tpu.memref_slice %arg8[%dma_start3A_419, %dma_start3A_423, %dma_start3A_424] : memref<4x1024x128xf32, #tpu.memory_space<vmem_shared>> -> memref<1x1024x128xf32, #tpu.memory_space<vmem_shared>>
      %dma_start3A_426 = tpu.memref_squeeze %dma_start3A_425 : memref<1x1024x128xf32, #tpu.memory_space<vmem_shared>> -> memref<1024x128xf32, #tpu.memory_space<vmem_shared>>
      %dma_start3A_427 = arith.constant 0 : i32
      %dma_start3A_428 = tpu.memref_slice %arg2[%mul3A_418, %dma_start3A_427] : memref<16384x128xf32, #tpu.memory_space<hbm>> -> memref<1024x128xf32, #tpu.memory_space<hbm>>
      tpu.enqueue_dma source(%dma_start3A_428 : memref<1024x128xf32, #tpu.memory_space<hbm>>) target(%dma_start3A_426 : memref<1024x128xf32, #tpu.memory_space<vmem_shared>>) target_semaphore(%dma_start3A_422 : memref<!tpu.dma_semaphore, #tpu.memory_space<semaphore_mem>>)
      %mul3A_429 = arith.constant 8 : i32
      %mul3A_430 = arith.muli %arg0, %mul3A_429 : i32
      %add3A_431 = arith.constant 1 : i32
      %add3A_432 = arith.addi %mul3A_430, %add3A_431 : i32
      %mul3A_433 = arith.constant 1024 : i32
      %mul3A_434 = arith.muli %add3A_432, %mul3A_433 : i32
      %dma_wait3A_435 = arith.constant 1 : i32
      %dma_wait3A_436 = arith.constant 1 : i32
      %dma_wait3A_437 = tpu.memref_slice %arg12[%dma_wait3A_436] : memref<4x!tpu.dma_semaphore, #tpu.memory_space<semaphore_mem>> -> memref<1x!tpu.dma_semaphore, #tpu.memory_space<semaphore_mem>>
      %dma_wait3A_438 = tpu.memref_squeeze %dma_wait3A_437 : memref<1x!tpu.dma_semaphore, #tpu.memory_space<semaphore_mem>> -> memref<!tpu.dma_semaphore, #tpu.memory_space<semaphore_mem>>
      %dma_wait3A_439 = arith.constant 0 : i32
      %dma_wait3A_440 = arith.constant 0 : i32
      %dma_wait3A_441 = tpu.memref_slice %arg8[%dma_wait3A_435, %dma_wait3A_439, %dma_wait3A_440] : memref<4x1024x128xf32, #tpu.memory_space<vmem_shared>> -> memref<1x1024x128xf32, #tpu.memory_space<vmem_shared>>
      %dma_wait3A_442 = tpu.memref_squeeze %dma_wait3A_441 : memref<1x1024x128xf32, #tpu.memory_space<vmem_shared>> -> memref<1024x128xf32, #tpu.memory_space<vmem_shared>>
      %dma_wait3A_443 = arith.constant 0 : i32
      %dma_wait3A_444 = tpu.memref_slice %arg2[%mul3A_434, %dma_wait3A_443] : memref<16384x128xf32, #tpu.memory_space<hbm>> -> memref<1024x128xf32, #tpu.memory_space<hbm>>
      tpu.wait_dma2 semaphore(%dma_wait3A_438 : memref<!tpu.dma_semaphore, #tpu.memory_space<semaphore_mem>>) src(%dma_wait3A_444 : memref<1024x128xf32, #tpu.memory_space<hbm>>) dst(%dma_wait3A_442 : memref<1024x128xf32, #tpu.memory_space<vmem_shared>>)
      %mul3A_445 = arith.constant 8 : i32
      %mul3A_446 = arith.muli %arg0, %mul3A_445 : i32
      %add3A_447 = arith.constant 1 : i32
      %add3A_448 = arith.addi %mul3A_446, %add3A_447 : i32
      %mul3A_449 = arith.constant 1024 : i32
      %mul3A_450 = arith.muli %add3A_448, %mul3A_449 : i32
      %dma_start3A_451 = arith.constant 1 : i32
      %dma_start3A_452 = arith.constant 1 : i32
      %dma_start3A_453 = tpu.memref_slice %arg13[%dma_start3A_452] : memref<4x!tpu.dma_semaphore, #tpu.memory_space<semaphore_mem>> -> memref<1x!tpu.dma_semaphore, #tpu.memory_space<semaphore_mem>>
      %dma_start3A_454 = tpu.memref_squeeze %dma_start3A_453 : memref<1x!tpu.dma_semaphore, #tpu.memory_space<semaphore_mem>> -> memref<!tpu.dma_semaphore, #tpu.memory_space<semaphore_mem>>
      %dma_start3A_455 = arith.constant 128 : i32
      %dma_start3A_456 = tpu.memref_slice %arg5[%mul3A_450, %dma_start3A_455] : memref<16384x256xf32, #tpu.memory_space<hbm>> -> memref<1024x128xf32, #tpu.memory_space<hbm>>
      %dma_start3A_457 = arith.constant 0 : i32
      %dma_start3A_458 = arith.constant 0 : i32
      %dma_start3A_459 = tpu.memref_slice %arg8[%dma_start3A_451, %dma_start3A_457, %dma_start3A_458] : memref<4x1024x128xf32, #tpu.memory_space<vmem_shared>> -> memref<1x1024x128xf32, #tpu.memory_space<vmem_shared>>
      %dma_start3A_460 = tpu.memref_squeeze %dma_start3A_459 : memref<1x1024x128xf32, #tpu.memory_space<vmem_shared>> -> memref<1024x128xf32, #tpu.memory_space<vmem_shared>>
      tpu.enqueue_dma source(%dma_start3A_460 : memref<1024x128xf32, #tpu.memory_space<vmem_shared>>) target(%dma_start3A_456 : memref<1024x128xf32, #tpu.memory_space<hbm>>) target_semaphore(%dma_start3A_454 : memref<!tpu.dma_semaphore, #tpu.memory_space<semaphore_mem>>)
      %mul3A_461 = arith.constant 8 : i32
      %mul3A_462 = arith.muli %arg0, %mul3A_461 : i32
      %add3A_463 = arith.constant 1 : i32
      %add3A_464 = arith.addi %mul3A_462, %add3A_463 : i32
      %mul3A_465 = arith.constant 1024 : i32
      %mul3A_466 = arith.muli %add3A_464, %mul3A_465 : i32
      %dma_wait3A_467 = arith.constant 1 : i32
      %dma_wait3A_468 = arith.constant 1 : i32
      %dma_wait3A_469 = tpu.memref_slice %arg13[%dma_wait3A_468] : memref<4x!tpu.dma_semaphore, #tpu.memory_space<semaphore_mem>> -> memref<1x!tpu.dma_semaphore, #tpu.memory_space<semaphore_mem>>
      %dma_wait3A_470 = tpu.memref_squeeze %dma_wait3A_469 : memref<1x!tpu.dma_semaphore, #tpu.memory_space<semaphore_mem>> -> memref<!tpu.dma_semaphore, #tpu.memory_space<semaphore_mem>>
      %dma_wait3A_471 = arith.constant 128 : i32
      %dma_wait3A_472 = tpu.memref_slice %arg5[%mul3A_466, %dma_wait3A_471] : memref<16384x256xf32, #tpu.memory_space<hbm>> -> memref<1024x128xf32, #tpu.memory_space<hbm>>
      %dma_wait3A_473 = arith.constant 0 : i32
      %dma_wait3A_474 = arith.constant 0 : i32
      %dma_wait3A_475 = tpu.memref_slice %arg8[%dma_wait3A_467, %dma_wait3A_473, %dma_wait3A_474] : memref<4x1024x128xf32, #tpu.memory_space<vmem_shared>> -> memref<1x1024x128xf32, #tpu.memory_space<vmem_shared>>
      %dma_wait3A_476 = tpu.memref_squeeze %dma_wait3A_475 : memref<1x1024x128xf32, #tpu.memory_space<vmem_shared>> -> memref<1024x128xf32, #tpu.memory_space<vmem_shared>>
      tpu.wait_dma2 semaphore(%dma_wait3A_470 : memref<!tpu.dma_semaphore, #tpu.memory_space<semaphore_mem>>) src(%dma_wait3A_476 : memref<1024x128xf32, #tpu.memory_space<vmem_shared>>) dst(%dma_wait3A_472 : memref<1024x128xf32, #tpu.memory_space<hbm>>)
      %mul3A_477 = arith.constant 8 : i32
      %mul3A_478 = arith.muli %arg0, %mul3A_477 : i32
      %add3A_479 = arith.constant 5 : i32
      %add3A_480 = arith.addi %mul3A_478, %add3A_479 : i32
      %mul3A_481 = arith.constant 1024 : i32
      %mul3A_482 = arith.muli %add3A_480, %mul3A_481 : i32
      %dma_start3A_483 = arith.constant 1 : i32
      %dma_start3A_484 = arith.constant 1 : i32
      %dma_start3A_485 = tpu.memref_slice %arg12[%dma_start3A_484] : memref<4x!tpu.dma_semaphore, #tpu.memory_space<semaphore_mem>> -> memref<1x!tpu.dma_semaphore, #tpu.memory_space<semaphore_mem>>
      %dma_start3A_486 = tpu.memref_squeeze %dma_start3A_485 : memref<1x!tpu.dma_semaphore, #tpu.memory_space<semaphore_mem>> -> memref<!tpu.dma_semaphore, #tpu.memory_space<semaphore_mem>>
      %dma_start3A_487 = arith.constant 0 : i32
      %dma_start3A_488 = arith.constant 0 : i32
      %dma_start3A_489 = tpu.memref_slice %arg8[%dma_start3A_483, %dma_start3A_487, %dma_start3A_488] : memref<4x1024x128xf32, #tpu.memory_space<vmem_shared>> -> memref<1x1024x128xf32, #tpu.memory_space<vmem_shared>>
      %dma_start3A_490 = tpu.memref_squeeze %dma_start3A_489 : memref<1x1024x128xf32, #tpu.memory_space<vmem_shared>> -> memref<1024x128xf32, #tpu.memory_space<vmem_shared>>
      %dma_start3A_491 = arith.constant 0 : i32
      %dma_start3A_492 = tpu.memref_slice %arg2[%mul3A_482, %dma_start3A_491] : memref<16384x128xf32, #tpu.memory_space<hbm>> -> memref<1024x128xf32, #tpu.memory_space<hbm>>
      tpu.enqueue_dma source(%dma_start3A_492 : memref<1024x128xf32, #tpu.memory_space<hbm>>) target(%dma_start3A_490 : memref<1024x128xf32, #tpu.memory_space<vmem_shared>>) target_semaphore(%dma_start3A_486 : memref<!tpu.dma_semaphore, #tpu.memory_space<semaphore_mem>>)
      %mul3A_493 = arith.constant 8 : i32
      %mul3A_494 = arith.muli %arg0, %mul3A_493 : i32
      %add3A_495 = arith.constant 2 : i32
      %add3A_496 = arith.addi %mul3A_494, %add3A_495 : i32
      %mul3A_497 = arith.constant 1024 : i32
      %mul3A_498 = arith.muli %add3A_496, %mul3A_497 : i32
      %dma_wait3A_499 = arith.constant 2 : i32
      %dma_wait3A_500 = arith.constant 2 : i32
      %dma_wait3A_501 = tpu.memref_slice %arg12[%dma_wait3A_500] : memref<4x!tpu.dma_semaphore, #tpu.memory_space<semaphore_mem>> -> memref<1x!tpu.dma_semaphore, #tpu.memory_space<semaphore_mem>>
      %dma_wait3A_502 = tpu.memref_squeeze %dma_wait3A_501 : memref<1x!tpu.dma_semaphore, #tpu.memory_space<semaphore_mem>> -> memref<!tpu.dma_semaphore, #tpu.memory_space<semaphore_mem>>
      %dma_wait3A_503 = arith.constant 0 : i32
      %dma_wait3A_504 = arith.constant 0 : i32
      %dma_wait3A_505 = tpu.memref_slice %arg8[%dma_wait3A_499, %dma_wait3A_503, %dma_wait3A_504] : memref<4x1024x128xf32, #tpu.memory_space<vmem_shared>> -> memref<1x1024x128xf32, #tpu.memory_space<vmem_shared>>
      %dma_wait3A_506 = tpu.memref_squeeze %dma_wait3A_505 : memref<1x1024x128xf32, #tpu.memory_space<vmem_shared>> -> memref<1024x128xf32, #tpu.memory_space<vmem_shared>>
      %dma_wait3A_507 = arith.constant 0 : i32
      %dma_wait3A_508 = tpu.memref_slice %arg2[%mul3A_498, %dma_wait3A_507] : memref<16384x128xf32, #tpu.memory_space<hbm>> -> memref<1024x128xf32, #tpu.memory_space<hbm>>
      tpu.wait_dma2 semaphore(%dma_wait3A_502 : memref<!tpu.dma_semaphore, #tpu.memory_space<semaphore_mem>>) src(%dma_wait3A_508 : memref<1024x128xf32, #tpu.memory_space<hbm>>) dst(%dma_wait3A_506 : memref<1024x128xf32, #tpu.memory_space<vmem_shared>>)
      %mul3A_509 = arith.constant 8 : i32
      %mul3A_510 = arith.muli %arg0, %mul3A_509 : i32
      %add3A_511 = arith.constant 2 : i32
      %add3A_512 = arith.addi %mul3A_510, %add3A_511 : i32
      %mul3A_513 = arith.constant 1024 : i32
      %mul3A_514 = arith.muli %add3A_512, %mul3A_513 : i32
      %dma_start3A_515 = arith.constant 2 : i32
      %dma_start3A_516 = arith.constant 2 : i32
      %dma_start3A_517 = tpu.memref_slice %arg13[%dma_start3A_516] : memref<4x!tpu.dma_semaphore, #tpu.memory_space<semaphore_mem>> -> memref<1x!tpu.dma_semaphore, #tpu.memory_space<semaphore_mem>>
      %dma_start3A_518 = tpu.memref_squeeze %dma_start3A_517 : memref<1x!tpu.dma_semaphore, #tpu.memory_space<semaphore_mem>> -> memref<!tpu.dma_semaphore, #tpu.memory_space<semaphore_mem>>
      %dma_start3A_519 = arith.constant 128 : i32
      %dma_start3A_520 = tpu.memref_slice %arg5[%mul3A_514, %dma_start3A_519] : memref<16384x256xf32, #tpu.memory_space<hbm>> -> memref<1024x128xf32, #tpu.memory_space<hbm>>
      %dma_start3A_521 = arith.constant 0 : i32
      %dma_start3A_522 = arith.constant 0 : i32
      %dma_start3A_523 = tpu.memref_slice %arg8[%dma_start3A_515, %dma_start3A_521, %dma_start3A_522] : memref<4x1024x128xf32, #tpu.memory_space<vmem_shared>> -> memref<1x1024x128xf32, #tpu.memory_space<vmem_shared>>
      %dma_start3A_524 = tpu.memref_squeeze %dma_start3A_523 : memref<1x1024x128xf32, #tpu.memory_space<vmem_shared>> -> memref<1024x128xf32, #tpu.memory_space<vmem_shared>>
      tpu.enqueue_dma source(%dma_start3A_524 : memref<1024x128xf32, #tpu.memory_space<vmem_shared>>) target(%dma_start3A_520 : memref<1024x128xf32, #tpu.memory_space<hbm>>) target_semaphore(%dma_start3A_518 : memref<!tpu.dma_semaphore, #tpu.memory_space<semaphore_mem>>)
      %mul3A_525 = arith.constant 8 : i32
      %mul3A_526 = arith.muli %arg0, %mul3A_525 : i32
      %add3A_527 = arith.constant 2 : i32
      %add3A_528 = arith.addi %mul3A_526, %add3A_527 : i32
      %mul3A_529 = arith.constant 1024 : i32
      %mul3A_530 = arith.muli %add3A_528, %mul3A_529 : i32
      %dma_wait3A_531 = arith.constant 2 : i32
      %dma_wait3A_532 = arith.constant 2 : i32
      %dma_wait3A_533 = tpu.memref_slice %arg13[%dma_wait3A_532] : memref<4x!tpu.dma_semaphore, #tpu.memory_space<semaphore_mem>> -> memref<1x!tpu.dma_semaphore, #tpu.memory_space<semaphore_mem>>
      %dma_wait3A_534 = tpu.memref_squeeze %dma_wait3A_533 : memref<1x!tpu.dma_semaphore, #tpu.memory_space<semaphore_mem>> -> memref<!tpu.dma_semaphore, #tpu.memory_space<semaphore_mem>>
      %dma_wait3A_535 = arith.constant 128 : i32
      %dma_wait3A_536 = tpu.memref_slice %arg5[%mul3A_530, %dma_wait3A_535] : memref<16384x256xf32, #tpu.memory_space<hbm>> -> memref<1024x128xf32, #tpu.memory_space<hbm>>
      %dma_wait3A_537 = arith.constant 0 : i32
      %dma_wait3A_538 = arith.constant 0 : i32
      %dma_wait3A_539 = tpu.memref_slice %arg8[%dma_wait3A_531, %dma_wait3A_537, %dma_wait3A_538] : memref<4x1024x128xf32, #tpu.memory_space<vmem_shared>> -> memref<1x1024x128xf32, #tpu.memory_space<vmem_shared>>
      %dma_wait3A_540 = tpu.memref_squeeze %dma_wait3A_539 : memref<1x1024x128xf32, #tpu.memory_space<vmem_shared>> -> memref<1024x128xf32, #tpu.memory_space<vmem_shared>>
      tpu.wait_dma2 semaphore(%dma_wait3A_534 : memref<!tpu.dma_semaphore, #tpu.memory_space<semaphore_mem>>) src(%dma_wait3A_540 : memref<1024x128xf32, #tpu.memory_space<vmem_shared>>) dst(%dma_wait3A_536 : memref<1024x128xf32, #tpu.memory_space<hbm>>)
      %mul3A_541 = arith.constant 8 : i32
      %mul3A_542 = arith.muli %arg0, %mul3A_541 : i32
      %add3A_543 = arith.constant 6 : i32
      %add3A_544 = arith.addi %mul3A_542, %add3A_543 : i32
      %mul3A_545 = arith.constant 1024 : i32
      %mul3A_546 = arith.muli %add3A_544, %mul3A_545 : i32
      %dma_start3A_547 = arith.constant 2 : i32
      %dma_start3A_548 = arith.constant 2 : i32
      %dma_start3A_549 = tpu.memref_slice %arg12[%dma_start3A_548] : memref<4x!tpu.dma_semaphore, #tpu.memory_space<semaphore_mem>> -> memref<1x!tpu.dma_semaphore, #tpu.memory_space<semaphore_mem>>
      %dma_start3A_550 = tpu.memref_squeeze %dma_start3A_549 : memref<1x!tpu.dma_semaphore, #tpu.memory_space<semaphore_mem>> -> memref<!tpu.dma_semaphore, #tpu.memory_space<semaphore_mem>>
      %dma_start3A_551 = arith.constant 0 : i32
      %dma_start3A_552 = arith.constant 0 : i32
      %dma_start3A_553 = tpu.memref_slice %arg8[%dma_start3A_547, %dma_start3A_551, %dma_start3A_552] : memref<4x1024x128xf32, #tpu.memory_space<vmem_shared>> -> memref<1x1024x128xf32, #tpu.memory_space<vmem_shared>>
      %dma_start3A_554 = tpu.memref_squeeze %dma_start3A_553 : memref<1x1024x128xf32, #tpu.memory_space<vmem_shared>> -> memref<1024x128xf32, #tpu.memory_space<vmem_shared>>
      %dma_start3A_555 = arith.constant 0 : i32
      %dma_start3A_556 = tpu.memref_slice %arg2[%mul3A_546, %dma_start3A_555] : memref<16384x128xf32, #tpu.memory_space<hbm>> -> memref<1024x128xf32, #tpu.memory_space<hbm>>
      tpu.enqueue_dma source(%dma_start3A_556 : memref<1024x128xf32, #tpu.memory_space<hbm>>) target(%dma_start3A_554 : memref<1024x128xf32, #tpu.memory_space<vmem_shared>>) target_semaphore(%dma_start3A_550 : memref<!tpu.dma_semaphore, #tpu.memory_space<semaphore_mem>>)
      %mul3A_557 = arith.constant 8 : i32
      %mul3A_558 = arith.muli %arg0, %mul3A_557 : i32
      %add3A_559 = arith.constant 3 : i32
      %add3A_560 = arith.addi %mul3A_558, %add3A_559 : i32
      %mul3A_561 = arith.constant 1024 : i32
      %mul3A_562 = arith.muli %add3A_560, %mul3A_561 : i32
      %dma_wait3A_563 = arith.constant 3 : i32
      %dma_wait3A_564 = arith.constant 3 : i32
      %dma_wait3A_565 = tpu.memref_slice %arg12[%dma_wait3A_564] : memref<4x!tpu.dma_semaphore, #tpu.memory_space<semaphore_mem>> -> memref<1x!tpu.dma_semaphore, #tpu.memory_space<semaphore_mem>>
      %dma_wait3A_566 = tpu.memref_squeeze %dma_wait3A_565 : memref<1x!tpu.dma_semaphore, #tpu.memory_space<semaphore_mem>> -> memref<!tpu.dma_semaphore, #tpu.memory_space<semaphore_mem>>
      %dma_wait3A_567 = arith.constant 0 : i32
      %dma_wait3A_568 = arith.constant 0 : i32
      %dma_wait3A_569 = tpu.memref_slice %arg8[%dma_wait3A_563, %dma_wait3A_567, %dma_wait3A_568] : memref<4x1024x128xf32, #tpu.memory_space<vmem_shared>> -> memref<1x1024x128xf32, #tpu.memory_space<vmem_shared>>
      %dma_wait3A_570 = tpu.memref_squeeze %dma_wait3A_569 : memref<1x1024x128xf32, #tpu.memory_space<vmem_shared>> -> memref<1024x128xf32, #tpu.memory_space<vmem_shared>>
      %dma_wait3A_571 = arith.constant 0 : i32
      %dma_wait3A_572 = tpu.memref_slice %arg2[%mul3A_562, %dma_wait3A_571] : memref<16384x128xf32, #tpu.memory_space<hbm>> -> memref<1024x128xf32, #tpu.memory_space<hbm>>
      tpu.wait_dma2 semaphore(%dma_wait3A_566 : memref<!tpu.dma_semaphore, #tpu.memory_space<semaphore_mem>>) src(%dma_wait3A_572 : memref<1024x128xf32, #tpu.memory_space<hbm>>) dst(%dma_wait3A_570 : memref<1024x128xf32, #tpu.memory_space<vmem_shared>>)
      %mul3A_573 = arith.constant 8 : i32
      %mul3A_574 = arith.muli %arg0, %mul3A_573 : i32
      %add3A_575 = arith.constant 3 : i32
      %add3A_576 = arith.addi %mul3A_574, %add3A_575 : i32
      %mul3A_577 = arith.constant 1024 : i32
      %mul3A_578 = arith.muli %add3A_576, %mul3A_577 : i32
      %dma_start3A_579 = arith.constant 3 : i32
      %dma_start3A_580 = arith.constant 3 : i32
      %dma_start3A_581 = tpu.memref_slice %arg13[%dma_start3A_580] : memref<4x!tpu.dma_semaphore, #tpu.memory_space<semaphore_mem>> -> memref<1x!tpu.dma_semaphore, #tpu.memory_space<semaphore_mem>>
      %dma_start3A_582 = tpu.memref_squeeze %dma_start3A_581 : memref<1x!tpu.dma_semaphore, #tpu.memory_space<semaphore_mem>> -> memref<!tpu.dma_semaphore, #tpu.memory_space<semaphore_mem>>
      %dma_start3A_583 = arith.constant 128 : i32
      %dma_start3A_584 = tpu.memref_slice %arg5[%mul3A_578, %dma_start3A_583] : memref<16384x256xf32, #tpu.memory_space<hbm>> -> memref<1024x128xf32, #tpu.memory_space<hbm>>
      %dma_start3A_585 = arith.constant 0 : i32
      %dma_start3A_586 = arith.constant 0 : i32
      %dma_start3A_587 = tpu.memref_slice %arg8[%dma_start3A_579, %dma_start3A_585, %dma_start3A_586] : memref<4x1024x128xf32, #tpu.memory_space<vmem_shared>> -> memref<1x1024x128xf32, #tpu.memory_space<vmem_shared>>
      %dma_start3A_588 = tpu.memref_squeeze %dma_start3A_587 : memref<1x1024x128xf32, #tpu.memory_space<vmem_shared>> -> memref<1024x128xf32, #tpu.memory_space<vmem_shared>>
      tpu.enqueue_dma source(%dma_start3A_588 : memref<1024x128xf32, #tpu.memory_space<vmem_shared>>) target(%dma_start3A_584 : memref<1024x128xf32, #tpu.memory_space<hbm>>) target_semaphore(%dma_start3A_582 : memref<!tpu.dma_semaphore, #tpu.memory_space<semaphore_mem>>)
      %mul3A_589 = arith.constant 8 : i32
      %mul3A_590 = arith.muli %arg0, %mul3A_589 : i32
      %add3A_591 = arith.constant 3 : i32
      %add3A_592 = arith.addi %mul3A_590, %add3A_591 : i32
      %mul3A_593 = arith.constant 1024 : i32
      %mul3A_594 = arith.muli %add3A_592, %mul3A_593 : i32
      %dma_wait3A_595 = arith.constant 3 : i32
      %dma_wait3A_596 = arith.constant 3 : i32
      %dma_wait3A_597 = tpu.memref_slice %arg13[%dma_wait3A_596] : memref<4x!tpu.dma_semaphore, #tpu.memory_space<semaphore_mem>> -> memref<1x!tpu.dma_semaphore, #tpu.memory_space<semaphore_mem>>
      %dma_wait3A_598 = tpu.memref_squeeze %dma_wait3A_597 : memref<1x!tpu.dma_semaphore, #tpu.memory_space<semaphore_mem>> -> memref<!tpu.dma_semaphore, #tpu.memory_space<semaphore_mem>>
      %dma_wait3A_599 = arith.constant 128 : i32
      %dma_wait3A_600 = tpu.memref_slice %arg5[%mul3A_594, %dma_wait3A_599] : memref<16384x256xf32, #tpu.memory_space<hbm>> -> memref<1024x128xf32, #tpu.memory_space<hbm>>
      %dma_wait3A_601 = arith.constant 0 : i32
      %dma_wait3A_602 = arith.constant 0 : i32
      %dma_wait3A_603 = tpu.memref_slice %arg8[%dma_wait3A_595, %dma_wait3A_601, %dma_wait3A_602] : memref<4x1024x128xf32, #tpu.memory_space<vmem_shared>> -> memref<1x1024x128xf32, #tpu.memory_space<vmem_shared>>
      %dma_wait3A_604 = tpu.memref_squeeze %dma_wait3A_603 : memref<1x1024x128xf32, #tpu.memory_space<vmem_shared>> -> memref<1024x128xf32, #tpu.memory_space<vmem_shared>>
      tpu.wait_dma2 semaphore(%dma_wait3A_598 : memref<!tpu.dma_semaphore, #tpu.memory_space<semaphore_mem>>) src(%dma_wait3A_604 : memref<1024x128xf32, #tpu.memory_space<vmem_shared>>) dst(%dma_wait3A_600 : memref<1024x128xf32, #tpu.memory_space<hbm>>)
      %mul3A_605 = arith.constant 8 : i32
      %mul3A_606 = arith.muli %arg0, %mul3A_605 : i32
      %add3A_607 = arith.constant 7 : i32
      %add3A_608 = arith.addi %mul3A_606, %add3A_607 : i32
      %mul3A_609 = arith.constant 1024 : i32
      %mul3A_610 = arith.muli %add3A_608, %mul3A_609 : i32
      %dma_start3A_611 = arith.constant 3 : i32
      %dma_start3A_612 = arith.constant 3 : i32
      %dma_start3A_613 = tpu.memref_slice %arg12[%dma_start3A_612] : memref<4x!tpu.dma_semaphore, #tpu.memory_space<semaphore_mem>> -> memref<1x!tpu.dma_semaphore, #tpu.memory_space<semaphore_mem>>
      %dma_start3A_614 = tpu.memref_squeeze %dma_start3A_613 : memref<1x!tpu.dma_semaphore, #tpu.memory_space<semaphore_mem>> -> memref<!tpu.dma_semaphore, #tpu.memory_space<semaphore_mem>>
      %dma_start3A_615 = arith.constant 0 : i32
      %dma_start3A_616 = arith.constant 0 : i32
      %dma_start3A_617 = tpu.memref_slice %arg8[%dma_start3A_611, %dma_start3A_615, %dma_start3A_616] : memref<4x1024x128xf32, #tpu.memory_space<vmem_shared>> -> memref<1x1024x128xf32, #tpu.memory_space<vmem_shared>>
      %dma_start3A_618 = tpu.memref_squeeze %dma_start3A_617 : memref<1x1024x128xf32, #tpu.memory_space<vmem_shared>> -> memref<1024x128xf32, #tpu.memory_space<vmem_shared>>
      %dma_start3A_619 = arith.constant 0 : i32
      %dma_start3A_620 = tpu.memref_slice %arg2[%mul3A_610, %dma_start3A_619] : memref<16384x128xf32, #tpu.memory_space<hbm>> -> memref<1024x128xf32, #tpu.memory_space<hbm>>
      tpu.enqueue_dma source(%dma_start3A_620 : memref<1024x128xf32, #tpu.memory_space<hbm>>) target(%dma_start3A_618 : memref<1024x128xf32, #tpu.memory_space<vmem_shared>>) target_semaphore(%dma_start3A_614 : memref<!tpu.dma_semaphore, #tpu.memory_space<semaphore_mem>>)
      %mul3A_621 = arith.constant 8 : i32
      %mul3A_622 = arith.muli %arg0, %mul3A_621 : i32
      %add3A_623 = arith.constant 4 : i32
      %add3A_624 = arith.addi %mul3A_622, %add3A_623 : i32
      %mul3A_625 = arith.constant 1024 : i32
      %mul3A_626 = arith.muli %add3A_624, %mul3A_625 : i32
      %dma_wait3A_627 = arith.constant 0 : i32
      %dma_wait3A_628 = arith.constant 0 : i32
      %dma_wait3A_629 = tpu.memref_slice %arg12[%dma_wait3A_628] : memref<4x!tpu.dma_semaphore, #tpu.memory_space<semaphore_mem>> -> memref<1x!tpu.dma_semaphore, #tpu.memory_space<semaphore_mem>>
      %dma_wait3A_630 = tpu.memref_squeeze %dma_wait3A_629 : memref<1x!tpu.dma_semaphore, #tpu.memory_space<semaphore_mem>> -> memref<!tpu.dma_semaphore, #tpu.memory_space<semaphore_mem>>
      %dma_wait3A_631 = arith.constant 0 : i32
      %dma_wait3A_632 = arith.constant 0 : i32
      %dma_wait3A_633 = tpu.memref_slice %arg8[%dma_wait3A_627, %dma_wait3A_631, %dma_wait3A_632] : memref<4x1024x128xf32, #tpu.memory_space<vmem_shared>> -> memref<1x1024x128xf32, #tpu.memory_space<vmem_shared>>
      %dma_wait3A_634 = tpu.memref_squeeze %dma_wait3A_633 : memref<1x1024x128xf32, #tpu.memory_space<vmem_shared>> -> memref<1024x128xf32, #tpu.memory_space<vmem_shared>>
      %dma_wait3A_635 = arith.constant 0 : i32
      %dma_wait3A_636 = tpu.memref_slice %arg2[%mul3A_626, %dma_wait3A_635] : memref<16384x128xf32, #tpu.memory_space<hbm>> -> memref<1024x128xf32, #tpu.memory_space<hbm>>
      tpu.wait_dma2 semaphore(%dma_wait3A_630 : memref<!tpu.dma_semaphore, #tpu.memory_space<semaphore_mem>>) src(%dma_wait3A_636 : memref<1024x128xf32, #tpu.memory_space<hbm>>) dst(%dma_wait3A_634 : memref<1024x128xf32, #tpu.memory_space<vmem_shared>>)
      %mul3A_637 = arith.constant 8 : i32
      %mul3A_638 = arith.muli %arg0, %mul3A_637 : i32
      %add3A_639 = arith.constant 4 : i32
      %add3A_640 = arith.addi %mul3A_638, %add3A_639 : i32
      %mul3A_641 = arith.constant 1024 : i32
      %mul3A_642 = arith.muli %add3A_640, %mul3A_641 : i32
      %dma_start3A_643 = arith.constant 0 : i32
      %dma_start3A_644 = arith.constant 0 : i32
      %dma_start3A_645 = tpu.memref_slice %arg13[%dma_start3A_644] : memref<4x!tpu.dma_semaphore, #tpu.memory_space<semaphore_mem>> -> memref<1x!tpu.dma_semaphore, #tpu.memory_space<semaphore_mem>>
      %dma_start3A_646 = tpu.memref_squeeze %dma_start3A_645 : memref<1x!tpu.dma_semaphore, #tpu.memory_space<semaphore_mem>> -> memref<!tpu.dma_semaphore, #tpu.memory_space<semaphore_mem>>
      %dma_start3A_647 = arith.constant 128 : i32
      %dma_start3A_648 = tpu.memref_slice %arg5[%mul3A_642, %dma_start3A_647] : memref<16384x256xf32, #tpu.memory_space<hbm>> -> memref<1024x128xf32, #tpu.memory_space<hbm>>
      %dma_start3A_649 = arith.constant 0 : i32
      %dma_start3A_650 = arith.constant 0 : i32
      %dma_start3A_651 = tpu.memref_slice %arg8[%dma_start3A_643, %dma_start3A_649, %dma_start3A_650] : memref<4x1024x128xf32, #tpu.memory_space<vmem_shared>> -> memref<1x1024x128xf32, #tpu.memory_space<vmem_shared>>
      %dma_start3A_652 = tpu.memref_squeeze %dma_start3A_651 : memref<1x1024x128xf32, #tpu.memory_space<vmem_shared>> -> memref<1024x128xf32, #tpu.memory_space<vmem_shared>>
      tpu.enqueue_dma source(%dma_start3A_652 : memref<1024x128xf32, #tpu.memory_space<vmem_shared>>) target(%dma_start3A_648 : memref<1024x128xf32, #tpu.memory_space<hbm>>) target_semaphore(%dma_start3A_646 : memref<!tpu.dma_semaphore, #tpu.memory_space<semaphore_mem>>)
      %mul3A_653 = arith.constant 8 : i32
      %mul3A_654 = arith.muli %arg0, %mul3A_653 : i32
      %add3A_655 = arith.constant 5 : i32
      %add3A_656 = arith.addi %mul3A_654, %add3A_655 : i32
      %mul3A_657 = arith.constant 1024 : i32
      %mul3A_658 = arith.muli %add3A_656, %mul3A_657 : i32
      %dma_wait3A_659 = arith.constant 1 : i32
      %dma_wait3A_660 = arith.constant 1 : i32
      %dma_wait3A_661 = tpu.memref_slice %arg12[%dma_wait3A_660] : memref<4x!tpu.dma_semaphore, #tpu.memory_space<semaphore_mem>> -> memref<1x!tpu.dma_semaphore, #tpu.memory_space<semaphore_mem>>
      %dma_wait3A_662 = tpu.memref_squeeze %dma_wait3A_661 : memref<1x!tpu.dma_semaphore, #tpu.memory_space<semaphore_mem>> -> memref<!tpu.dma_semaphore, #tpu.memory_space<semaphore_mem>>
      %dma_wait3A_663 = arith.constant 0 : i32
      %dma_wait3A_664 = arith.constant 0 : i32
      %dma_wait3A_665 = tpu.memref_slice %arg8[%dma_wait3A_659, %dma_wait3A_663, %dma_wait3A_664] : memref<4x1024x128xf32, #tpu.memory_space<vmem_shared>> -> memref<1x1024x128xf32, #tpu.memory_space<vmem_shared>>
      %dma_wait3A_666 = tpu.memref_squeeze %dma_wait3A_665 : memref<1x1024x128xf32, #tpu.memory_space<vmem_shared>> -> memref<1024x128xf32, #tpu.memory_space<vmem_shared>>
      %dma_wait3A_667 = arith.constant 0 : i32
      %dma_wait3A_668 = tpu.memref_slice %arg2[%mul3A_658, %dma_wait3A_667] : memref<16384x128xf32, #tpu.memory_space<hbm>> -> memref<1024x128xf32, #tpu.memory_space<hbm>>
      tpu.wait_dma2 semaphore(%dma_wait3A_662 : memref<!tpu.dma_semaphore, #tpu.memory_space<semaphore_mem>>) src(%dma_wait3A_668 : memref<1024x128xf32, #tpu.memory_space<hbm>>) dst(%dma_wait3A_666 : memref<1024x128xf32, #tpu.memory_space<vmem_shared>>)
      %mul3A_669 = arith.constant 8 : i32
      %mul3A_670 = arith.muli %arg0, %mul3A_669 : i32
      %add3A_671 = arith.constant 5 : i32
      %add3A_672 = arith.addi %mul3A_670, %add3A_671 : i32
      %mul3A_673 = arith.constant 1024 : i32
      %mul3A_674 = arith.muli %add3A_672, %mul3A_673 : i32
      %dma_start3A_675 = arith.constant 1 : i32
      %dma_start3A_676 = arith.constant 1 : i32
      %dma_start3A_677 = tpu.memref_slice %arg13[%dma_start3A_676] : memref<4x!tpu.dma_semaphore, #tpu.memory_space<semaphore_mem>> -> memref<1x!tpu.dma_semaphore, #tpu.memory_space<semaphore_mem>>
      %dma_start3A_678 = tpu.memref_squeeze %dma_start3A_677 : memref<1x!tpu.dma_semaphore, #tpu.memory_space<semaphore_mem>> -> memref<!tpu.dma_semaphore, #tpu.memory_space<semaphore_mem>>
      %dma_start3A_679 = arith.constant 128 : i32
      %dma_start3A_680 = tpu.memref_slice %arg5[%mul3A_674, %dma_start3A_679] : memref<16384x256xf32, #tpu.memory_space<hbm>> -> memref<1024x128xf32, #tpu.memory_space<hbm>>
      %dma_start3A_681 = arith.constant 0 : i32
      %dma_start3A_682 = arith.constant 0 : i32
      %dma_start3A_683 = tpu.memref_slice %arg8[%dma_start3A_675, %dma_start3A_681, %dma_start3A_682] : memref<4x1024x128xf32, #tpu.memory_space<vmem_shared>> -> memref<1x1024x128xf32, #tpu.memory_space<vmem_shared>>
      %dma_start3A_684 = tpu.memref_squeeze %dma_start3A_683 : memref<1x1024x128xf32, #tpu.memory_space<vmem_shared>> -> memref<1024x128xf32, #tpu.memory_space<vmem_shared>>
      tpu.enqueue_dma source(%dma_start3A_684 : memref<1024x128xf32, #tpu.memory_space<vmem_shared>>) target(%dma_start3A_680 : memref<1024x128xf32, #tpu.memory_space<hbm>>) target_semaphore(%dma_start3A_678 : memref<!tpu.dma_semaphore, #tpu.memory_space<semaphore_mem>>)
      %mul3A_685 = arith.constant 8 : i32
      %mul3A_686 = arith.muli %arg0, %mul3A_685 : i32
      %add3A_687 = arith.constant 6 : i32
      %add3A_688 = arith.addi %mul3A_686, %add3A_687 : i32
      %mul3A_689 = arith.constant 1024 : i32
      %mul3A_690 = arith.muli %add3A_688, %mul3A_689 : i32
      %dma_wait3A_691 = arith.constant 2 : i32
      %dma_wait3A_692 = arith.constant 2 : i32
      %dma_wait3A_693 = tpu.memref_slice %arg12[%dma_wait3A_692] : memref<4x!tpu.dma_semaphore, #tpu.memory_space<semaphore_mem>> -> memref<1x!tpu.dma_semaphore, #tpu.memory_space<semaphore_mem>>
      %dma_wait3A_694 = tpu.memref_squeeze %dma_wait3A_693 : memref<1x!tpu.dma_semaphore, #tpu.memory_space<semaphore_mem>> -> memref<!tpu.dma_semaphore, #tpu.memory_space<semaphore_mem>>
      %dma_wait3A_695 = arith.constant 0 : i32
      %dma_wait3A_696 = arith.constant 0 : i32
      %dma_wait3A_697 = tpu.memref_slice %arg8[%dma_wait3A_691, %dma_wait3A_695, %dma_wait3A_696] : memref<4x1024x128xf32, #tpu.memory_space<vmem_shared>> -> memref<1x1024x128xf32, #tpu.memory_space<vmem_shared>>
      %dma_wait3A_698 = tpu.memref_squeeze %dma_wait3A_697 : memref<1x1024x128xf32, #tpu.memory_space<vmem_shared>> -> memref<1024x128xf32, #tpu.memory_space<vmem_shared>>
      %dma_wait3A_699 = arith.constant 0 : i32
      %dma_wait3A_700 = tpu.memref_slice %arg2[%mul3A_690, %dma_wait3A_699] : memref<16384x128xf32, #tpu.memory_space<hbm>> -> memref<1024x128xf32, #tpu.memory_space<hbm>>
      tpu.wait_dma2 semaphore(%dma_wait3A_694 : memref<!tpu.dma_semaphore, #tpu.memory_space<semaphore_mem>>) src(%dma_wait3A_700 : memref<1024x128xf32, #tpu.memory_space<hbm>>) dst(%dma_wait3A_698 : memref<1024x128xf32, #tpu.memory_space<vmem_shared>>)
      %mul3A_701 = arith.constant 8 : i32
      %mul3A_702 = arith.muli %arg0, %mul3A_701 : i32
      %add3A_703 = arith.constant 6 : i32
      %add3A_704 = arith.addi %mul3A_702, %add3A_703 : i32
      %mul3A_705 = arith.constant 1024 : i32
      %mul3A_706 = arith.muli %add3A_704, %mul3A_705 : i32
      %dma_start3A_707 = arith.constant 2 : i32
      %dma_start3A_708 = arith.constant 2 : i32
      %dma_start3A_709 = tpu.memref_slice %arg13[%dma_start3A_708] : memref<4x!tpu.dma_semaphore, #tpu.memory_space<semaphore_mem>> -> memref<1x!tpu.dma_semaphore, #tpu.memory_space<semaphore_mem>>
      %dma_start3A_710 = tpu.memref_squeeze %dma_start3A_709 : memref<1x!tpu.dma_semaphore, #tpu.memory_space<semaphore_mem>> -> memref<!tpu.dma_semaphore, #tpu.memory_space<semaphore_mem>>
      %dma_start3A_711 = arith.constant 128 : i32
      %dma_start3A_712 = tpu.memref_slice %arg5[%mul3A_706, %dma_start3A_711] : memref<16384x256xf32, #tpu.memory_space<hbm>> -> memref<1024x128xf32, #tpu.memory_space<hbm>>
      %dma_start3A_713 = arith.constant 0 : i32
      %dma_start3A_714 = arith.constant 0 : i32
      %dma_start3A_715 = tpu.memref_slice %arg8[%dma_start3A_707, %dma_start3A_713, %dma_start3A_714] : memref<4x1024x128xf32, #tpu.memory_space<vmem_shared>> -> memref<1x1024x128xf32, #tpu.memory_space<vmem_shared>>
      %dma_start3A_716 = tpu.memref_squeeze %dma_start3A_715 : memref<1x1024x128xf32, #tpu.memory_space<vmem_shared>> -> memref<1024x128xf32, #tpu.memory_space<vmem_shared>>
      tpu.enqueue_dma source(%dma_start3A_716 : memref<1024x128xf32, #tpu.memory_space<vmem_shared>>) target(%dma_start3A_712 : memref<1024x128xf32, #tpu.memory_space<hbm>>) target_semaphore(%dma_start3A_710 : memref<!tpu.dma_semaphore, #tpu.memory_space<semaphore_mem>>)
      %mul3A_717 = arith.constant 8 : i32
      %mul3A_718 = arith.muli %arg0, %mul3A_717 : i32
      %add3A_719 = arith.constant 7 : i32
      %add3A_720 = arith.addi %mul3A_718, %add3A_719 : i32
      %mul3A_721 = arith.constant 1024 : i32
      %mul3A_722 = arith.muli %add3A_720, %mul3A_721 : i32
      %dma_wait3A_723 = arith.constant 3 : i32
      %dma_wait3A_724 = arith.constant 3 : i32
      %dma_wait3A_725 = tpu.memref_slice %arg12[%dma_wait3A_724] : memref<4x!tpu.dma_semaphore, #tpu.memory_space<semaphore_mem>> -> memref<1x!tpu.dma_semaphore, #tpu.memory_space<semaphore_mem>>
      %dma_wait3A_726 = tpu.memref_squeeze %dma_wait3A_725 : memref<1x!tpu.dma_semaphore, #tpu.memory_space<semaphore_mem>> -> memref<!tpu.dma_semaphore, #tpu.memory_space<semaphore_mem>>
      %dma_wait3A_727 = arith.constant 0 : i32
      %dma_wait3A_728 = arith.constant 0 : i32
      %dma_wait3A_729 = tpu.memref_slice %arg8[%dma_wait3A_723, %dma_wait3A_727, %dma_wait3A_728] : memref<4x1024x128xf32, #tpu.memory_space<vmem_shared>> -> memref<1x1024x128xf32, #tpu.memory_space<vmem_shared>>
      %dma_wait3A_730 = tpu.memref_squeeze %dma_wait3A_729 : memref<1x1024x128xf32, #tpu.memory_space<vmem_shared>> -> memref<1024x128xf32, #tpu.memory_space<vmem_shared>>
      %dma_wait3A_731 = arith.constant 0 : i32
      %dma_wait3A_732 = tpu.memref_slice %arg2[%mul3A_722, %dma_wait3A_731] : memref<16384x128xf32, #tpu.memory_space<hbm>> -> memref<1024x128xf32, #tpu.memory_space<hbm>>
      tpu.wait_dma2 semaphore(%dma_wait3A_726 : memref<!tpu.dma_semaphore, #tpu.memory_space<semaphore_mem>>) src(%dma_wait3A_732 : memref<1024x128xf32, #tpu.memory_space<hbm>>) dst(%dma_wait3A_730 : memref<1024x128xf32, #tpu.memory_space<vmem_shared>>)
      %mul3A_733 = arith.constant 8 : i32
      %mul3A_734 = arith.muli %arg0, %mul3A_733 : i32
      %add3A_735 = arith.constant 7 : i32
      %add3A_736 = arith.addi %mul3A_734, %add3A_735 : i32
      %mul3A_737 = arith.constant 1024 : i32
      %mul3A_738 = arith.muli %add3A_736, %mul3A_737 : i32
      %dma_start3A_739 = arith.constant 3 : i32
      %dma_start3A_740 = arith.constant 3 : i32
      %dma_start3A_741 = tpu.memref_slice %arg13[%dma_start3A_740] : memref<4x!tpu.dma_semaphore, #tpu.memory_space<semaphore_mem>> -> memref<1x!tpu.dma_semaphore, #tpu.memory_space<semaphore_mem>>
      %dma_start3A_742 = tpu.memref_squeeze %dma_start3A_741 : memref<1x!tpu.dma_semaphore, #tpu.memory_space<semaphore_mem>> -> memref<!tpu.dma_semaphore, #tpu.memory_space<semaphore_mem>>
      %dma_start3A_743 = arith.constant 128 : i32
      %dma_start3A_744 = tpu.memref_slice %arg5[%mul3A_738, %dma_start3A_743] : memref<16384x256xf32, #tpu.memory_space<hbm>> -> memref<1024x128xf32, #tpu.memory_space<hbm>>
      %dma_start3A_745 = arith.constant 0 : i32
      %dma_start3A_746 = arith.constant 0 : i32
      %dma_start3A_747 = tpu.memref_slice %arg8[%dma_start3A_739, %dma_start3A_745, %dma_start3A_746] : memref<4x1024x128xf32, #tpu.memory_space<vmem_shared>> -> memref<1x1024x128xf32, #tpu.memory_space<vmem_shared>>
      %dma_start3A_748 = tpu.memref_squeeze %dma_start3A_747 : memref<1x1024x128xf32, #tpu.memory_space<vmem_shared>> -> memref<1024x128xf32, #tpu.memory_space<vmem_shared>>
      tpu.enqueue_dma source(%dma_start3A_748 : memref<1024x128xf32, #tpu.memory_space<vmem_shared>>) target(%dma_start3A_744 : memref<1024x128xf32, #tpu.memory_space<hbm>>) target_semaphore(%dma_start3A_742 : memref<!tpu.dma_semaphore, #tpu.memory_space<semaphore_mem>>)
    } else {
    }
    %dma_wait3A_156 = arith.constant 0 : i32
    %dma_wait3A_157 = arith.constant 0 : i32
    %dma_wait3A_158 = arith.constant 0 : i32
    %dma_wait3A_159 = arith.constant 0 : i32
    %dma_wait3A_160 = arith.constant 0 : i32
    %dma_wait3A_161 = tpu.memref_slice %arg7[%dma_wait3A_157, %dma_wait3A_159, %dma_wait3A_160] : memref<4x128x128xf32, #tpu.memory_space<vmem>> -> memref<1x128x128xf32, #tpu.memory_space<vmem>>
    %dma_wait3A_162 = tpu.memref_squeeze %dma_wait3A_161 : memref<1x128x128xf32, #tpu.memory_space<vmem>> -> memref<128x128xf32, #tpu.memory_space<vmem>>
    %dma_wait3A_163 = arith.constant 0 : i32
    %dma_wait3A_164 = tpu.memref_slice %arg6[%dma_wait3A_156, %dma_wait3A_163] : memref<4x128xi32, #tpu.memory_space<vmem>> -> memref<1x128xi32, #tpu.memory_space<vmem>>
    %dma_wait3A_165 = tpu.memref_squeeze %dma_wait3A_164 : memref<1x128xi32, #tpu.memory_space<vmem>> -> memref<128xi32, #tpu.memory_space<vmem>>
    %dma_wait3A_166 = arith.constant 0 : i32
    %dma_wait3A_167 = arith.constant 0 : i32
    %dma_wait3A_168 = tpu.memref_slice %arg4[%dma_wait3A_166, %dma_wait3A_167] : memref<100000x128xf32, #tpu.memory_space<hbm>> -> memref<100000x128xf32, #tpu.memory_space<hbm>>
    %dma_wait3A_169 = tpu.memref_slice %arg10[%dma_wait3A_158] : memref<4x!tpu.dma_semaphore, #tpu.memory_space<semaphore_mem>> -> memref<1x!tpu.dma_semaphore, #tpu.memory_space<semaphore_mem>>
    %dma_wait3A_170 = tpu.memref_squeeze %dma_wait3A_169 : memref<1x!tpu.dma_semaphore, #tpu.memory_space<semaphore_mem>> -> memref<!tpu.dma_semaphore, #tpu.memory_space<semaphore_mem>>
    tpu.wait_indirect_dma semaphore(%dma_wait3A_170 : memref<!tpu.dma_semaphore, #tpu.memory_space<semaphore_mem>>) src(%dma_wait3A_168 : memref<100000x128xf32, #tpu.memory_space<hbm>>) dst(%dma_wait3A_162 : memref<128x128xf32, #tpu.memory_space<vmem>>)
    %add3A_171 = arith.constant 0 : i32
    %add3A_172 = arith.addi %mul3A_2, %add3A_171 : i32
    %dma_start3A_173 = arith.constant 0 : i32
    %dma_start3A_174 = arith.constant 0 : i32
    %dma_start3A_175 = arith.constant 0 : i32
    %dma_start3A_176 = arith.constant 0 : i32
    %dma_start3A_177 = tpu.memref_slice %arg7[%dma_start3A_173, %dma_start3A_175, %dma_start3A_176] : memref<4x128x128xf32, #tpu.memory_space<vmem>> -> memref<1x128x128xf32, #tpu.memory_space<vmem>>
    %dma_start3A_178 = tpu.memref_squeeze %dma_start3A_177 : memref<1x128x128xf32, #tpu.memory_space<vmem>> -> memref<128x128xf32, #tpu.memory_space<vmem>>
    %dma_start3A_179 = arith.constant 0 : i32
    %dma_start3A_180 = tpu.memref_slice %arg5[%add3A_172, %dma_start3A_179] : memref<16384x256xf32, #tpu.memory_space<hbm>> -> memref<128x128xf32, #tpu.memory_space<hbm>>
    %dma_start3A_181 = tpu.memref_slice %arg11[%dma_start3A_174] : memref<4x!tpu.dma_semaphore, #tpu.memory_space<semaphore_mem>> -> memref<1x!tpu.dma_semaphore, #tpu.memory_space<semaphore_mem>>
    %dma_start3A_182 = tpu.memref_squeeze %dma_start3A_181 : memref<1x!tpu.dma_semaphore, #tpu.memory_space<semaphore_mem>> -> memref<!tpu.dma_semaphore, #tpu.memory_space<semaphore_mem>>
    %dma_start3A_183 = arith.constant 0 : i32
    %dma_start3A_184 = tpu.memref_slice %arg5[%add3A_172, %dma_start3A_183] : memref<16384x256xf32, #tpu.memory_space<hbm>> -> memref<128x128xf32, #tpu.memory_space<hbm>>
    %dma_start3A_185 = arith.constant 0 : i32
    %dma_start3A_186 = arith.constant 0 : i32
    %dma_start3A_187 = tpu.memref_slice %arg7[%dma_start3A_173, %dma_start3A_185, %dma_start3A_186] : memref<4x128x128xf32, #tpu.memory_space<vmem>> -> memref<1x128x128xf32, #tpu.memory_space<vmem>>
    %dma_start3A_188 = tpu.memref_squeeze %dma_start3A_187 : memref<1x128x128xf32, #tpu.memory_space<vmem>> -> memref<128x128xf32, #tpu.memory_space<vmem>>
    tpu.enqueue_dma source(%dma_start3A_188 : memref<128x128xf32, #tpu.memory_space<vmem>>) target(%dma_start3A_184 : memref<128x128xf32, #tpu.memory_space<hbm>>) target_semaphore(%dma_start3A_182 : memref<!tpu.dma_semaphore, #tpu.memory_space<semaphore_mem>>)
    %dma_wait3A_189 = arith.constant 1 : i32
    %dma_wait3A_190 = arith.constant 1 : i32
    %dma_wait3A_191 = arith.constant 1 : i32
    %dma_wait3A_192 = arith.constant 0 : i32
    %dma_wait3A_193 = arith.constant 0 : i32
    %dma_wait3A_194 = tpu.memref_slice %arg7[%dma_wait3A_190, %dma_wait3A_192, %dma_wait3A_193] : memref<4x128x128xf32, #tpu.memory_space<vmem>> -> memref<1x128x128xf32, #tpu.memory_space<vmem>>
    %dma_wait3A_195 = tpu.memref_squeeze %dma_wait3A_194 : memref<1x128x128xf32, #tpu.memory_space<vmem>> -> memref<128x128xf32, #tpu.memory_space<vmem>>
    %dma_wait3A_196 = arith.constant 0 : i32
    %dma_wait3A_197 = tpu.memref_slice %arg6[%dma_wait3A_189, %dma_wait3A_196] : memref<4x128xi32, #tpu.memory_space<vmem>> -> memref<1x128xi32, #tpu.memory_space<vmem>>
    %dma_wait3A_198 = tpu.memref_squeeze %dma_wait3A_197 : memref<1x128xi32, #tpu.memory_space<vmem>> -> memref<128xi32, #tpu.memory_space<vmem>>
    %dma_wait3A_199 = arith.constant 0 : i32
    %dma_wait3A_200 = arith.constant 0 : i32
    %dma_wait3A_201 = tpu.memref_slice %arg4[%dma_wait3A_199, %dma_wait3A_200] : memref<100000x128xf32, #tpu.memory_space<hbm>> -> memref<100000x128xf32, #tpu.memory_space<hbm>>
    %dma_wait3A_202 = tpu.memref_slice %arg10[%dma_wait3A_191] : memref<4x!tpu.dma_semaphore, #tpu.memory_space<semaphore_mem>> -> memref<1x!tpu.dma_semaphore, #tpu.memory_space<semaphore_mem>>
    %dma_wait3A_203 = tpu.memref_squeeze %dma_wait3A_202 : memref<1x!tpu.dma_semaphore, #tpu.memory_space<semaphore_mem>> -> memref<!tpu.dma_semaphore, #tpu.memory_space<semaphore_mem>>
    tpu.wait_indirect_dma semaphore(%dma_wait3A_203 : memref<!tpu.dma_semaphore, #tpu.memory_space<semaphore_mem>>) src(%dma_wait3A_201 : memref<100000x128xf32, #tpu.memory_space<hbm>>) dst(%dma_wait3A_195 : memref<128x128xf32, #tpu.memory_space<vmem>>)
    %add3A_204 = arith.constant 128 : i32
    %add3A_205 = arith.addi %mul3A_2, %add3A_204 : i32
    %dma_start3A_206 = arith.constant 1 : i32
    %dma_start3A_207 = arith.constant 1 : i32
    %dma_start3A_208 = arith.constant 0 : i32
    %dma_start3A_209 = arith.constant 0 : i32
    %dma_start3A_210 = tpu.memref_slice %arg7[%dma_start3A_206, %dma_start3A_208, %dma_start3A_209] : memref<4x128x128xf32, #tpu.memory_space<vmem>> -> memref<1x128x128xf32, #tpu.memory_space<vmem>>
    %dma_start3A_211 = tpu.memref_squeeze %dma_start3A_210 : memref<1x128x128xf32, #tpu.memory_space<vmem>> -> memref<128x128xf32, #tpu.memory_space<vmem>>
    %dma_start3A_212 = arith.constant 0 : i32
    %dma_start3A_213 = tpu.memref_slice %arg5[%add3A_205, %dma_start3A_212] : memref<16384x256xf32, #tpu.memory_space<hbm>> -> memref<128x128xf32, #tpu.memory_space<hbm>>
    %dma_start3A_214 = tpu.memref_slice %arg11[%dma_start3A_207] : memref<4x!tpu.dma_semaphore, #tpu.memory_space<semaphore_mem>> -> memref<1x!tpu.dma_semaphore, #tpu.memory_space<semaphore_mem>>
    %dma_start3A_215 = tpu.memref_squeeze %dma_start3A_214 : memref<1x!tpu.dma_semaphore, #tpu.memory_space<semaphore_mem>> -> memref<!tpu.dma_semaphore, #tpu.memory_space<semaphore_mem>>
    %dma_start3A_216 = arith.constant 0 : i32
    %dma_start3A_217 = tpu.memref_slice %arg5[%add3A_205, %dma_start3A_216] : memref<16384x256xf32, #tpu.memory_space<hbm>> -> memref<128x128xf32, #tpu.memory_space<hbm>>
    %dma_start3A_218 = arith.constant 0 : i32
    %dma_start3A_219 = arith.constant 0 : i32
    %dma_start3A_220 = tpu.memref_slice %arg7[%dma_start3A_206, %dma_start3A_218, %dma_start3A_219] : memref<4x128x128xf32, #tpu.memory_space<vmem>> -> memref<1x128x128xf32, #tpu.memory_space<vmem>>
    %dma_start3A_221 = tpu.memref_squeeze %dma_start3A_220 : memref<1x128x128xf32, #tpu.memory_space<vmem>> -> memref<128x128xf32, #tpu.memory_space<vmem>>
    tpu.enqueue_dma source(%dma_start3A_221 : memref<128x128xf32, #tpu.memory_space<vmem>>) target(%dma_start3A_217 : memref<128x128xf32, #tpu.memory_space<hbm>>) target_semaphore(%dma_start3A_215 : memref<!tpu.dma_semaphore, #tpu.memory_space<semaphore_mem>>)
    %dma_wait3A_222 = arith.constant 2 : i32
    %dma_wait3A_223 = arith.constant 2 : i32
    %dma_wait3A_224 = arith.constant 2 : i32
    %dma_wait3A_225 = arith.constant 0 : i32
    %dma_wait3A_226 = arith.constant 0 : i32
    %dma_wait3A_227 = tpu.memref_slice %arg7[%dma_wait3A_223, %dma_wait3A_225, %dma_wait3A_226] : memref<4x128x128xf32, #tpu.memory_space<vmem>> -> memref<1x128x128xf32, #tpu.memory_space<vmem>>
    %dma_wait3A_228 = tpu.memref_squeeze %dma_wait3A_227 : memref<1x128x128xf32, #tpu.memory_space<vmem>> -> memref<128x128xf32, #tpu.memory_space<vmem>>
    %dma_wait3A_229 = arith.constant 0 : i32
    %dma_wait3A_230 = tpu.memref_slice %arg6[%dma_wait3A_222, %dma_wait3A_229] : memref<4x128xi32, #tpu.memory_space<vmem>> -> memref<1x128xi32, #tpu.memory_space<vmem>>
    %dma_wait3A_231 = tpu.memref_squeeze %dma_wait3A_230 : memref<1x128xi32, #tpu.memory_space<vmem>> -> memref<128xi32, #tpu.memory_space<vmem>>
    %dma_wait3A_232 = arith.constant 0 : i32
    %dma_wait3A_233 = arith.constant 0 : i32
    %dma_wait3A_234 = tpu.memref_slice %arg4[%dma_wait3A_232, %dma_wait3A_233] : memref<100000x128xf32, #tpu.memory_space<hbm>> -> memref<100000x128xf32, #tpu.memory_space<hbm>>
    %dma_wait3A_235 = tpu.memref_slice %arg10[%dma_wait3A_224] : memref<4x!tpu.dma_semaphore, #tpu.memory_space<semaphore_mem>> -> memref<1x!tpu.dma_semaphore, #tpu.memory_space<semaphore_mem>>
    %dma_wait3A_236 = tpu.memref_squeeze %dma_wait3A_235 : memref<1x!tpu.dma_semaphore, #tpu.memory_space<semaphore_mem>> -> memref<!tpu.dma_semaphore, #tpu.memory_space<semaphore_mem>>
    tpu.wait_indirect_dma semaphore(%dma_wait3A_236 : memref<!tpu.dma_semaphore, #tpu.memory_space<semaphore_mem>>) src(%dma_wait3A_234 : memref<100000x128xf32, #tpu.memory_space<hbm>>) dst(%dma_wait3A_228 : memref<128x128xf32, #tpu.memory_space<vmem>>)
    %add3A_237 = arith.constant 256 : i32
    %add3A_238 = arith.addi %mul3A_2, %add3A_237 : i32
    %dma_start3A_239 = arith.constant 2 : i32
    %dma_start3A_240 = arith.constant 2 : i32
    %dma_start3A_241 = arith.constant 0 : i32
    %dma_start3A_242 = arith.constant 0 : i32
    %dma_start3A_243 = tpu.memref_slice %arg7[%dma_start3A_239, %dma_start3A_241, %dma_start3A_242] : memref<4x128x128xf32, #tpu.memory_space<vmem>> -> memref<1x128x128xf32, #tpu.memory_space<vmem>>
    %dma_start3A_244 = tpu.memref_squeeze %dma_start3A_243 : memref<1x128x128xf32, #tpu.memory_space<vmem>> -> memref<128x128xf32, #tpu.memory_space<vmem>>
    %dma_start3A_245 = arith.constant 0 : i32
    %dma_start3A_246 = tpu.memref_slice %arg5[%add3A_238, %dma_start3A_245] : memref<16384x256xf32, #tpu.memory_space<hbm>> -> memref<128x128xf32, #tpu.memory_space<hbm>>
    %dma_start3A_247 = tpu.memref_slice %arg11[%dma_start3A_240] : memref<4x!tpu.dma_semaphore, #tpu.memory_space<semaphore_mem>> -> memref<1x!tpu.dma_semaphore, #tpu.memory_space<semaphore_mem>>
    %dma_start3A_248 = tpu.memref_squeeze %dma_start3A_247 : memref<1x!tpu.dma_semaphore, #tpu.memory_space<semaphore_mem>> -> memref<!tpu.dma_semaphore, #tpu.memory_space<semaphore_mem>>
    %dma_start3A_249 = arith.constant 0 : i32
    %dma_start3A_250 = tpu.memref_slice %arg5[%add3A_238, %dma_start3A_249] : memref<16384x256xf32, #tpu.memory_space<hbm>> -> memref<128x128xf32, #tpu.memory_space<hbm>>
    %dma_start3A_251 = arith.constant 0 : i32
    %dma_start3A_252 = arith.constant 0 : i32
    %dma_start3A_253 = tpu.memref_slice %arg7[%dma_start3A_239, %dma_start3A_251, %dma_start3A_252] : memref<4x128x128xf32, #tpu.memory_space<vmem>> -> memref<1x128x128xf32, #tpu.memory_space<vmem>>
    %dma_start3A_254 = tpu.memref_squeeze %dma_start3A_253 : memref<1x128x128xf32, #tpu.memory_space<vmem>> -> memref<128x128xf32, #tpu.memory_space<vmem>>
    tpu.enqueue_dma source(%dma_start3A_254 : memref<128x128xf32, #tpu.memory_space<vmem>>) target(%dma_start3A_250 : memref<128x128xf32, #tpu.memory_space<hbm>>) target_semaphore(%dma_start3A_248 : memref<!tpu.dma_semaphore, #tpu.memory_space<semaphore_mem>>)
    %dma_wait3A_255 = arith.constant 3 : i32
    %dma_wait3A_256 = arith.constant 3 : i32
    %dma_wait3A_257 = arith.constant 3 : i32
    %dma_wait3A_258 = arith.constant 0 : i32
    %dma_wait3A_259 = arith.constant 0 : i32
    %dma_wait3A_260 = tpu.memref_slice %arg7[%dma_wait3A_256, %dma_wait3A_258, %dma_wait3A_259] : memref<4x128x128xf32, #tpu.memory_space<vmem>> -> memref<1x128x128xf32, #tpu.memory_space<vmem>>
    %dma_wait3A_261 = tpu.memref_squeeze %dma_wait3A_260 : memref<1x128x128xf32, #tpu.memory_space<vmem>> -> memref<128x128xf32, #tpu.memory_space<vmem>>
    %dma_wait3A_262 = arith.constant 0 : i32
    %dma_wait3A_263 = tpu.memref_slice %arg6[%dma_wait3A_255, %dma_wait3A_262] : memref<4x128xi32, #tpu.memory_space<vmem>> -> memref<1x128xi32, #tpu.memory_space<vmem>>
    %dma_wait3A_264 = tpu.memref_squeeze %dma_wait3A_263 : memref<1x128xi32, #tpu.memory_space<vmem>> -> memref<128xi32, #tpu.memory_space<vmem>>
    %dma_wait3A_265 = arith.constant 0 : i32
    %dma_wait3A_266 = arith.constant 0 : i32
    %dma_wait3A_267 = tpu.memref_slice %arg4[%dma_wait3A_265, %dma_wait3A_266] : memref<100000x128xf32, #tpu.memory_space<hbm>> -> memref<100000x128xf32, #tpu.memory_space<hbm>>
    %dma_wait3A_268 = tpu.memref_slice %arg10[%dma_wait3A_257] : memref<4x!tpu.dma_semaphore, #tpu.memory_space<semaphore_mem>> -> memref<1x!tpu.dma_semaphore, #tpu.memory_space<semaphore_mem>>
    %dma_wait3A_269 = tpu.memref_squeeze %dma_wait3A_268 : memref<1x!tpu.dma_semaphore, #tpu.memory_space<semaphore_mem>> -> memref<!tpu.dma_semaphore, #tpu.memory_space<semaphore_mem>>
    tpu.wait_indirect_dma semaphore(%dma_wait3A_269 : memref<!tpu.dma_semaphore, #tpu.memory_space<semaphore_mem>>) src(%dma_wait3A_267 : memref<100000x128xf32, #tpu.memory_space<hbm>>) dst(%dma_wait3A_261 : memref<128x128xf32, #tpu.memory_space<vmem>>)
    %add3A_270 = arith.constant 384 : i32
    %add3A_271 = arith.addi %mul3A_2, %add3A_270 : i32
    %dma_start3A_272 = arith.constant 3 : i32
    %dma_start3A_273 = arith.constant 3 : i32
    %dma_start3A_274 = arith.constant 0 : i32
    %dma_start3A_275 = arith.constant 0 : i32
    %dma_start3A_276 = tpu.memref_slice %arg7[%dma_start3A_272, %dma_start3A_274, %dma_start3A_275] : memref<4x128x128xf32, #tpu.memory_space<vmem>> -> memref<1x128x128xf32, #tpu.memory_space<vmem>>
    %dma_start3A_277 = tpu.memref_squeeze %dma_start3A_276 : memref<1x128x128xf32, #tpu.memory_space<vmem>> -> memref<128x128xf32, #tpu.memory_space<vmem>>
    %dma_start3A_278 = arith.constant 0 : i32
    %dma_start3A_279 = tpu.memref_slice %arg5[%add3A_271, %dma_start3A_278] : memref<16384x256xf32, #tpu.memory_space<hbm>> -> memref<128x128xf32, #tpu.memory_space<hbm>>
    %dma_start3A_280 = tpu.memref_slice %arg11[%dma_start3A_273] : memref<4x!tpu.dma_semaphore, #tpu.memory_space<semaphore_mem>> -> memref<1x!tpu.dma_semaphore, #tpu.memory_space<semaphore_mem>>
    %dma_start3A_281 = tpu.memref_squeeze %dma_start3A_280 : memref<1x!tpu.dma_semaphore, #tpu.memory_space<semaphore_mem>> -> memref<!tpu.dma_semaphore, #tpu.memory_space<semaphore_mem>>
    %dma_start3A_282 = arith.constant 0 : i32
    %dma_start3A_283 = tpu.memref_slice %arg5[%add3A_271, %dma_start3A_282] : memref<16384x256xf32, #tpu.memory_space<hbm>> -> memref<128x128xf32, #tpu.memory_space<hbm>>
    %dma_start3A_284 = arith.constant 0 : i32
    %dma_start3A_285 = arith.constant 0 : i32
    %dma_start3A_286 = tpu.memref_slice %arg7[%dma_start3A_272, %dma_start3A_284, %dma_start3A_285] : memref<4x128x128xf32, #tpu.memory_space<vmem>> -> memref<1x128x128xf32, #tpu.memory_space<vmem>>
    %dma_start3A_287 = tpu.memref_squeeze %dma_start3A_286 : memref<1x128x128xf32, #tpu.memory_space<vmem>> -> memref<128x128xf32, #tpu.memory_space<vmem>>
    tpu.enqueue_dma source(%dma_start3A_287 : memref<128x128xf32, #tpu.memory_space<vmem>>) target(%dma_start3A_283 : memref<128x128xf32, #tpu.memory_space<hbm>>) target_semaphore(%dma_start3A_281 : memref<!tpu.dma_semaphore, #tpu.memory_space<semaphore_mem>>)
    %add3A_288 = arith.constant 0 : i32
    %add3A_289 = arith.addi %mul3A_2, %add3A_288 : i32
    %dma_wait3A_290 = arith.constant 0 : i32
    %dma_wait3A_291 = arith.constant 0 : i32
    %dma_wait3A_292 = arith.constant 0 : i32
    %dma_wait3A_293 = arith.constant 0 : i32
    %dma_wait3A_294 = tpu.memref_slice %arg7[%dma_wait3A_290, %dma_wait3A_292, %dma_wait3A_293] : memref<4x128x128xf32, #tpu.memory_space<vmem>> -> memref<1x128x128xf32, #tpu.memory_space<vmem>>
    %dma_wait3A_295 = tpu.memref_squeeze %dma_wait3A_294 : memref<1x128x128xf32, #tpu.memory_space<vmem>> -> memref<128x128xf32, #tpu.memory_space<vmem>>
    %dma_wait3A_296 = arith.constant 0 : i32
    %dma_wait3A_297 = tpu.memref_slice %arg5[%add3A_289, %dma_wait3A_296] : memref<16384x256xf32, #tpu.memory_space<hbm>> -> memref<128x128xf32, #tpu.memory_space<hbm>>
    %dma_wait3A_298 = tpu.memref_slice %arg11[%dma_wait3A_291] : memref<4x!tpu.dma_semaphore, #tpu.memory_space<semaphore_mem>> -> memref<1x!tpu.dma_semaphore, #tpu.memory_space<semaphore_mem>>
    %dma_wait3A_299 = tpu.memref_squeeze %dma_wait3A_298 : memref<1x!tpu.dma_semaphore, #tpu.memory_space<semaphore_mem>> -> memref<!tpu.dma_semaphore, #tpu.memory_space<semaphore_mem>>
    %dma_wait3A_300 = arith.constant 0 : i32
    %dma_wait3A_301 = tpu.memref_slice %arg5[%add3A_289, %dma_wait3A_300] : memref<16384x256xf32, #tpu.memory_space<hbm>> -> memref<128x128xf32, #tpu.memory_space<hbm>>
    %dma_wait3A_302 = arith.constant 0 : i32
    %dma_wait3A_303 = arith.constant 0 : i32
    %dma_wait3A_304 = tpu.memref_slice %arg7[%dma_wait3A_290, %dma_wait3A_302, %dma_wait3A_303] : memref<4x128x128xf32, #tpu.memory_space<vmem>> -> memref<1x128x128xf32, #tpu.memory_space<vmem>>
    %dma_wait3A_305 = tpu.memref_squeeze %dma_wait3A_304 : memref<1x128x128xf32, #tpu.memory_space<vmem>> -> memref<128x128xf32, #tpu.memory_space<vmem>>
    tpu.wait_dma2 semaphore(%dma_wait3A_299 : memref<!tpu.dma_semaphore, #tpu.memory_space<semaphore_mem>>) src(%dma_wait3A_305 : memref<128x128xf32, #tpu.memory_space<vmem>>) dst(%dma_wait3A_301 : memref<128x128xf32, #tpu.memory_space<hbm>>)
    %add3A_306 = arith.constant 128 : i32
    %add3A_307 = arith.addi %mul3A_2, %add3A_306 : i32
    %dma_wait3A_308 = arith.constant 1 : i32
    %dma_wait3A_309 = arith.constant 1 : i32
    %dma_wait3A_310 = arith.constant 0 : i32
    %dma_wait3A_311 = arith.constant 0 : i32
    %dma_wait3A_312 = tpu.memref_slice %arg7[%dma_wait3A_308, %dma_wait3A_310, %dma_wait3A_311] : memref<4x128x128xf32, #tpu.memory_space<vmem>> -> memref<1x128x128xf32, #tpu.memory_space<vmem>>
    %dma_wait3A_313 = tpu.memref_squeeze %dma_wait3A_312 : memref<1x128x128xf32, #tpu.memory_space<vmem>> -> memref<128x128xf32, #tpu.memory_space<vmem>>
    %dma_wait3A_314 = arith.constant 0 : i32
    %dma_wait3A_315 = tpu.memref_slice %arg5[%add3A_307, %dma_wait3A_314] : memref<16384x256xf32, #tpu.memory_space<hbm>> -> memref<128x128xf32, #tpu.memory_space<hbm>>
    %dma_wait3A_316 = tpu.memref_slice %arg11[%dma_wait3A_309] : memref<4x!tpu.dma_semaphore, #tpu.memory_space<semaphore_mem>> -> memref<1x!tpu.dma_semaphore, #tpu.memory_space<semaphore_mem>>
    %dma_wait3A_317 = tpu.memref_squeeze %dma_wait3A_316 : memref<1x!tpu.dma_semaphore, #tpu.memory_space<semaphore_mem>> -> memref<!tpu.dma_semaphore, #tpu.memory_space<semaphore_mem>>
    %dma_wait3A_318 = arith.constant 0 : i32
    %dma_wait3A_319 = tpu.memref_slice %arg5[%add3A_307, %dma_wait3A_318] : memref<16384x256xf32, #tpu.memory_space<hbm>> -> memref<128x128xf32, #tpu.memory_space<hbm>>
    %dma_wait3A_320 = arith.constant 0 : i32
    %dma_wait3A_321 = arith.constant 0 : i32
    %dma_wait3A_322 = tpu.memref_slice %arg7[%dma_wait3A_308, %dma_wait3A_320, %dma_wait3A_321] : memref<4x128x128xf32, #tpu.memory_space<vmem>> -> memref<1x128x128xf32, #tpu.memory_space<vmem>>
    %dma_wait3A_323 = tpu.memref_squeeze %dma_wait3A_322 : memref<1x128x128xf32, #tpu.memory_space<vmem>> -> memref<128x128xf32, #tpu.memory_space<vmem>>
    tpu.wait_dma2 semaphore(%dma_wait3A_317 : memref<!tpu.dma_semaphore, #tpu.memory_space<semaphore_mem>>) src(%dma_wait3A_323 : memref<128x128xf32, #tpu.memory_space<vmem>>) dst(%dma_wait3A_319 : memref<128x128xf32, #tpu.memory_space<hbm>>)
    %add3A_324 = arith.constant 256 : i32
    %add3A_325 = arith.addi %mul3A_2, %add3A_324 : i32
    %dma_wait3A_326 = arith.constant 2 : i32
    %dma_wait3A_327 = arith.constant 2 : i32
    %dma_wait3A_328 = arith.constant 0 : i32
    %dma_wait3A_329 = arith.constant 0 : i32
    %dma_wait3A_330 = tpu.memref_slice %arg7[%dma_wait3A_326, %dma_wait3A_328, %dma_wait3A_329] : memref<4x128x128xf32, #tpu.memory_space<vmem>> -> memref<1x128x128xf32, #tpu.memory_space<vmem>>
    %dma_wait3A_331 = tpu.memref_squeeze %dma_wait3A_330 : memref<1x128x128xf32, #tpu.memory_space<vmem>> -> memref<128x128xf32, #tpu.memory_space<vmem>>
    %dma_wait3A_332 = arith.constant 0 : i32
    %dma_wait3A_333 = tpu.memref_slice %arg5[%add3A_325, %dma_wait3A_332] : memref<16384x256xf32, #tpu.memory_space<hbm>> -> memref<128x128xf32, #tpu.memory_space<hbm>>
    %dma_wait3A_334 = tpu.memref_slice %arg11[%dma_wait3A_327] : memref<4x!tpu.dma_semaphore, #tpu.memory_space<semaphore_mem>> -> memref<1x!tpu.dma_semaphore, #tpu.memory_space<semaphore_mem>>
    %dma_wait3A_335 = tpu.memref_squeeze %dma_wait3A_334 : memref<1x!tpu.dma_semaphore, #tpu.memory_space<semaphore_mem>> -> memref<!tpu.dma_semaphore, #tpu.memory_space<semaphore_mem>>
    %dma_wait3A_336 = arith.constant 0 : i32
    %dma_wait3A_337 = tpu.memref_slice %arg5[%add3A_325, %dma_wait3A_336] : memref<16384x256xf32, #tpu.memory_space<hbm>> -> memref<128x128xf32, #tpu.memory_space<hbm>>
    %dma_wait3A_338 = arith.constant 0 : i32
    %dma_wait3A_339 = arith.constant 0 : i32
    %dma_wait3A_340 = tpu.memref_slice %arg7[%dma_wait3A_326, %dma_wait3A_338, %dma_wait3A_339] : memref<4x128x128xf32, #tpu.memory_space<vmem>> -> memref<1x128x128xf32, #tpu.memory_space<vmem>>
    %dma_wait3A_341 = tpu.memref_squeeze %dma_wait3A_340 : memref<1x128x128xf32, #tpu.memory_space<vmem>> -> memref<128x128xf32, #tpu.memory_space<vmem>>
    tpu.wait_dma2 semaphore(%dma_wait3A_335 : memref<!tpu.dma_semaphore, #tpu.memory_space<semaphore_mem>>) src(%dma_wait3A_341 : memref<128x128xf32, #tpu.memory_space<vmem>>) dst(%dma_wait3A_337 : memref<128x128xf32, #tpu.memory_space<hbm>>)
    %add3A_342 = arith.constant 384 : i32
    %add3A_343 = arith.addi %mul3A_2, %add3A_342 : i32
    %dma_wait3A_344 = arith.constant 3 : i32
    %dma_wait3A_345 = arith.constant 3 : i32
    %dma_wait3A_346 = arith.constant 0 : i32
    %dma_wait3A_347 = arith.constant 0 : i32
    %dma_wait3A_348 = tpu.memref_slice %arg7[%dma_wait3A_344, %dma_wait3A_346, %dma_wait3A_347] : memref<4x128x128xf32, #tpu.memory_space<vmem>> -> memref<1x128x128xf32, #tpu.memory_space<vmem>>
    %dma_wait3A_349 = tpu.memref_squeeze %dma_wait3A_348 : memref<1x128x128xf32, #tpu.memory_space<vmem>> -> memref<128x128xf32, #tpu.memory_space<vmem>>
    %dma_wait3A_350 = arith.constant 0 : i32
    %dma_wait3A_351 = tpu.memref_slice %arg5[%add3A_343, %dma_wait3A_350] : memref<16384x256xf32, #tpu.memory_space<hbm>> -> memref<128x128xf32, #tpu.memory_space<hbm>>
    %dma_wait3A_352 = tpu.memref_slice %arg11[%dma_wait3A_345] : memref<4x!tpu.dma_semaphore, #tpu.memory_space<semaphore_mem>> -> memref<1x!tpu.dma_semaphore, #tpu.memory_space<semaphore_mem>>
    %dma_wait3A_353 = tpu.memref_squeeze %dma_wait3A_352 : memref<1x!tpu.dma_semaphore, #tpu.memory_space<semaphore_mem>> -> memref<!tpu.dma_semaphore, #tpu.memory_space<semaphore_mem>>
    %dma_wait3A_354 = arith.constant 0 : i32
    %dma_wait3A_355 = tpu.memref_slice %arg5[%add3A_343, %dma_wait3A_354] : memref<16384x256xf32, #tpu.memory_space<hbm>> -> memref<128x128xf32, #tpu.memory_space<hbm>>
    %dma_wait3A_356 = arith.constant 0 : i32
    %dma_wait3A_357 = arith.constant 0 : i32
    %dma_wait3A_358 = tpu.memref_slice %arg7[%dma_wait3A_344, %dma_wait3A_356, %dma_wait3A_357] : memref<4x128x128xf32, #tpu.memory_space<vmem>> -> memref<1x128x128xf32, #tpu.memory_space<vmem>>
    %dma_wait3A_359 = tpu.memref_squeeze %dma_wait3A_358 : memref<1x128x128xf32, #tpu.memory_space<vmem>> -> memref<128x128xf32, #tpu.memory_space<vmem>>
    tpu.wait_dma2 semaphore(%dma_wait3A_353 : memref<!tpu.dma_semaphore, #tpu.memory_space<semaphore_mem>>) src(%dma_wait3A_359 : memref<128x128xf32, #tpu.memory_space<vmem>>) dst(%dma_wait3A_355 : memref<128x128xf32, #tpu.memory_space<hbm>>)
    %eq3A_360 = arith.constant 0 : i32
    %eq3A_361 = arith.cmpi eq, %arg1, %eq3A_360 : i32
    %convert_element_type3A_362 = arith.extui %eq3A_361 : i1 to i32
    %cond3A_363 = arith.constant 0 : i32
    %cond3A_364 = arith.cmpi ne, %convert_element_type3A_362, %cond3A_363 : i32
    scf.if %cond3A_364 {
      %mul3A_365 = arith.constant 8 : i32
      %mul3A_366 = arith.muli %arg0, %mul3A_365 : i32
      %add3A_367 = arith.constant 4 : i32
      %add3A_368 = arith.addi %mul3A_366, %add3A_367 : i32
      %mul3A_369 = arith.constant 1024 : i32
      %mul3A_370 = arith.muli %add3A_368, %mul3A_369 : i32
      %dma_wait3A_371 = arith.constant 0 : i32
      %dma_wait3A_372 = arith.constant 0 : i32
      %dma_wait3A_373 = tpu.memref_slice %arg13[%dma_wait3A_372] : memref<4x!tpu.dma_semaphore, #tpu.memory_space<semaphore_mem>> -> memref<1x!tpu.dma_semaphore, #tpu.memory_space<semaphore_mem>>
      %dma_wait3A_374 = tpu.memref_squeeze %dma_wait3A_373 : memref<1x!tpu.dma_semaphore, #tpu.memory_space<semaphore_mem>> -> memref<!tpu.dma_semaphore, #tpu.memory_space<semaphore_mem>>
      %dma_wait3A_375 = arith.constant 128 : i32
      %dma_wait3A_376 = tpu.memref_slice %arg5[%mul3A_370, %dma_wait3A_375] : memref<16384x256xf32, #tpu.memory_space<hbm>> -> memref<1024x128xf32, #tpu.memory_space<hbm>>
      %dma_wait3A_377 = arith.constant 0 : i32
      %dma_wait3A_378 = arith.constant 0 : i32
      %dma_wait3A_379 = tpu.memref_slice %arg8[%dma_wait3A_371, %dma_wait3A_377, %dma_wait3A_378] : memref<4x1024x128xf32, #tpu.memory_space<vmem_shared>> -> memref<1x1024x128xf32, #tpu.memory_space<vmem_shared>>
      %dma_wait3A_380 = tpu.memref_squeeze %dma_wait3A_379 : memref<1x1024x128xf32, #tpu.memory_space<vmem_shared>> -> memref<1024x128xf32, #tpu.memory_space<vmem_shared>>
      tpu.wait_dma2 semaphore(%dma_wait3A_374 : memref<!tpu.dma_semaphore, #tpu.memory_space<semaphore_mem>>) src(%dma_wait3A_380 : memref<1024x128xf32, #tpu.memory_space<vmem_shared>>) dst(%dma_wait3A_376 : memref<1024x128xf32, #tpu.memory_space<hbm>>)
      %mul3A_381 = arith.constant 8 : i32
      %mul3A_382 = arith.muli %arg0, %mul3A_381 : i32
      %add3A_383 = arith.constant 5 : i32
      %add3A_384 = arith.addi %mul3A_382, %add3A_383 : i32
      %mul3A_385 = arith.constant 1024 : i32
      %mul3A_386 = arith.muli %add3A_384, %mul3A_385 : i32
      %dma_wait3A_387 = arith.constant 1 : i32
      %dma_wait3A_388 = arith.constant 1 : i32
      %dma_wait3A_389 = tpu.memref_slice %arg13[%dma_wait3A_388] : memref<4x!tpu.dma_semaphore, #tpu.memory_space<semaphore_mem>> -> memref<1x!tpu.dma_semaphore, #tpu.memory_space<semaphore_mem>>
      %dma_wait3A_390 = tpu.memref_squeeze %dma_wait3A_389 : memref<1x!tpu.dma_semaphore, #tpu.memory_space<semaphore_mem>> -> memref<!tpu.dma_semaphore, #tpu.memory_space<semaphore_mem>>
      %dma_wait3A_391 = arith.constant 128 : i32
      %dma_wait3A_392 = tpu.memref_slice %arg5[%mul3A_386, %dma_wait3A_391] : memref<16384x256xf32, #tpu.memory_space<hbm>> -> memref<1024x128xf32, #tpu.memory_space<hbm>>
      %dma_wait3A_393 = arith.constant 0 : i32
      %dma_wait3A_394 = arith.constant 0 : i32
      %dma_wait3A_395 = tpu.memref_slice %arg8[%dma_wait3A_387, %dma_wait3A_393, %dma_wait3A_394] : memref<4x1024x128xf32, #tpu.memory_space<vmem_shared>> -> memref<1x1024x128xf32, #tpu.memory_space<vmem_shared>>
      %dma_wait3A_396 = tpu.memref_squeeze %dma_wait3A_395 : memref<1x1024x128xf32, #tpu.memory_space<vmem_shared>> -> memref<1024x128xf32, #tpu.memory_space<vmem_shared>>
      tpu.wait_dma2 semaphore(%dma_wait3A_390 : memref<!tpu.dma_semaphore, #tpu.memory_space<semaphore_mem>>) src(%dma_wait3A_396 : memref<1024x128xf32, #tpu.memory_space<vmem_shared>>) dst(%dma_wait3A_392 : memref<1024x128xf32, #tpu.memory_space<hbm>>)
      %mul3A_397 = arith.constant 8 : i32
      %mul3A_398 = arith.muli %arg0, %mul3A_397 : i32
      %add3A_399 = arith.constant 6 : i32
      %add3A_400 = arith.addi %mul3A_398, %add3A_399 : i32
      %mul3A_401 = arith.constant 1024 : i32
      %mul3A_402 = arith.muli %add3A_400, %mul3A_401 : i32
      %dma_wait3A_403 = arith.constant 2 : i32
      %dma_wait3A_404 = arith.constant 2 : i32
      %dma_wait3A_405 = tpu.memref_slice %arg13[%dma_wait3A_404] : memref<4x!tpu.dma_semaphore, #tpu.memory_space<semaphore_mem>> -> memref<1x!tpu.dma_semaphore, #tpu.memory_space<semaphore_mem>>
      %dma_wait3A_406 = tpu.memref_squeeze %dma_wait3A_405 : memref<1x!tpu.dma_semaphore, #tpu.memory_space<semaphore_mem>> -> memref<!tpu.dma_semaphore, #tpu.memory_space<semaphore_mem>>
      %dma_wait3A_407 = arith.constant 128 : i32
      %dma_wait3A_408 = tpu.memref_slice %arg5[%mul3A_402, %dma_wait3A_407] : memref<16384x256xf32, #tpu.memory_space<hbm>> -> memref<1024x128xf32, #tpu.memory_space<hbm>>
      %dma_wait3A_409 = arith.constant 0 : i32
      %dma_wait3A_410 = arith.constant 0 : i32
      %dma_wait3A_411 = tpu.memref_slice %arg8[%dma_wait3A_403, %dma_wait3A_409, %dma_wait3A_410] : memref<4x1024x128xf32, #tpu.memory_space<vmem_shared>> -> memref<1x1024x128xf32, #tpu.memory_space<vmem_shared>>
      %dma_wait3A_412 = tpu.memref_squeeze %dma_wait3A_411 : memref<1x1024x128xf32, #tpu.memory_space<vmem_shared>> -> memref<1024x128xf32, #tpu.memory_space<vmem_shared>>
      tpu.wait_dma2 semaphore(%dma_wait3A_406 : memref<!tpu.dma_semaphore, #tpu.memory_space<semaphore_mem>>) src(%dma_wait3A_412 : memref<1024x128xf32, #tpu.memory_space<vmem_shared>>) dst(%dma_wait3A_408 : memref<1024x128xf32, #tpu.memory_space<hbm>>)
      %mul3A_413 = arith.constant 8 : i32
      %mul3A_414 = arith.muli %arg0, %mul3A_413 : i32
      %add3A_415 = arith.constant 7 : i32
      %add3A_416 = arith.addi %mul3A_414, %add3A_415 : i32
      %mul3A_417 = arith.constant 1024 : i32
      %mul3A_418 = arith.muli %add3A_416, %mul3A_417 : i32
      %dma_wait3A_419 = arith.constant 3 : i32
      %dma_wait3A_420 = arith.constant 3 : i32
      %dma_wait3A_421 = tpu.memref_slice %arg13[%dma_wait3A_420] : memref<4x!tpu.dma_semaphore, #tpu.memory_space<semaphore_mem>> -> memref<1x!tpu.dma_semaphore, #tpu.memory_space<semaphore_mem>>
      %dma_wait3A_422 = tpu.memref_squeeze %dma_wait3A_421 : memref<1x!tpu.dma_semaphore, #tpu.memory_space<semaphore_mem>> -> memref<!tpu.dma_semaphore, #tpu.memory_space<semaphore_mem>>
      %dma_wait3A_423 = arith.constant 128 : i32
      %dma_wait3A_424 = tpu.memref_slice %arg5[%mul3A_418, %dma_wait3A_423] : memref<16384x256xf32, #tpu.memory_space<hbm>> -> memref<1024x128xf32, #tpu.memory_space<hbm>>
      %dma_wait3A_425 = arith.constant 0 : i32
      %dma_wait3A_426 = arith.constant 0 : i32
      %dma_wait3A_427 = tpu.memref_slice %arg8[%dma_wait3A_419, %dma_wait3A_425, %dma_wait3A_426] : memref<4x1024x128xf32, #tpu.memory_space<vmem_shared>> -> memref<1x1024x128xf32, #tpu.memory_space<vmem_shared>>
      %dma_wait3A_428 = tpu.memref_squeeze %dma_wait3A_427 : memref<1x1024x128xf32, #tpu.memory_space<vmem_shared>> -> memref<1024x128xf32, #tpu.memory_space<vmem_shared>>
      tpu.wait_dma2 semaphore(%dma_wait3A_422 : memref<!tpu.dma_semaphore, #tpu.memory_space<semaphore_mem>>) src(%dma_wait3A_428 : memref<1024x128xf32, #tpu.memory_space<vmem_shared>>) dst(%dma_wait3A_424 : memref<1024x128xf32, #tpu.memory_space<hbm>>)
    } else {
    }
    return
  }
}

</mosaic_0001>

<sc_bundles>
// kernel: _run.3.cloned.1.call-start
scs
__scs_entry_jumppad:
0x0: {  	(pc) =	sbr.rel $0x88, $3  }
0x1: {  	(tag) =	ssettag $0x0;
	lr =	simm.s32 $0x1  }
0x2: {  	[smem:$0x3F9E] =	sst lr;
	_ =	strace $0xD0000000  }
0x3: {  	_ = 	snop  }
0x4: {  	_ = 	snop  }
0x5: {  	_ = 	snop  }
0x6: {  	_ = 	snop  }
0x7: {  	_ = 	snop  }
__scs_overlays_trampoline_lowered:
0x8: {  	[smem:$0x3FAD] =	sst s0  }
0x9: {  	[smem:$0x3FAE] =	sst s1  }
0xa: {  	[smem:$0x3FAF] =	sst s2  }
0xb: {  	[smem:$0x3FB0] =	sst s3  }
0xc: {  	[smem:$0x3FB1] =	sst s4  }
0xd: {  	[smem:$0x3FB2] =	sst s5  }
0xe: {  	[smem:$0x3FB3] =	sst s6  }
0xf: {  	[smem:$0x3FB4] =	sst s7  }
0x10: {  	[smem:$0x3FB5] =	sst s8  }
0x11: {  	[smem:$0x3FB6] =	sst s9;
	s0 =	simm.s32 @!p0 $0x0  }
0x12: {  	s1 =	sld [smem:$0x3F9C];
	s0 =	simm.s32 @p0 $0x1  }
0x13: {  	[smem:$0x3FB7] =	sst s0;
	s0 =	simm.s32 @!p1 $0x0  }
0x14: {  	s2 =	sld [smem:$0x3F9B];
	s0 =	simm.s32 @p1 $0x1  }
0x15: {  	[smem:$0x3FB8] =	sst s0;
	s0 =	simm.s32 @!p2 $0x0  }
0x16: {  	s3 =	sld [smem:$0x3FDB];
	s0 =	simm.s32 @p2 $0x1  }
0x17: {  	s4 =	simm.s32 $0x1BF5;
	[smem:$0x3FBA] =	sst s0  }
0x18: {  	s0 =	sld [smem:$0x3F9D];
	_ =	swait.ge [sflag:s4], $0x0  }
0x19: {  	s7 =	sld [smem:$0x3F9E]  }
0x1a: {  	s8 =	sadd.s32 $0xFFFFE003, lr  }
0x1b: {  	s9 =	sadd.s32 $0xFFFFFEF7, lr;
	s5 =	simm.s32 $0xFFFFFFFF;
	p2 =	slt.u32 s8, $0xFFFFF086  }
0x1c: {  	p1 =	slt.u32 s9, $0xF7A;
	s5 =	simm.s32 @!p2 $0x0  }
0x1d: {  	s5 =	simm.s32 @p1 $0x1;
	p0 =	seq.s32 s7, s2  }
0x1e: {  	s7 =	smul.u32 @!p0 $0xF7A, s2;
	p2 =	seq.s32 @!p0 s5, $0x0  }
0x1f: {  	s9 =	smul.u32 $0xF7A, s1;
	s8 =	simm.s32 @!p0 $0x1BF5;
	p2 =	por !p2, p0  }
0x20: {  	[sflag:s8] =	ssyncset.s32 @!p0 $0xFFFFF086;
	s6 =	sadd.s32 @!p0 s3, s7;
	s7 =	simm.s32 @!p0 $0x108  }
0x21: {  	s3 =	sadd.s32 s3, s9;
	s6 =	sadd.s32 @!p0 $0x88, s6;
	s7 =	simm.s32 @p2 $0x1082  }
0x22: {  	[simem:s7], [sflag:s8] =	dma.local @!p0 [hbm:s6], $0xF7A  }
0x23: {  	s9 =	sor.u32 $0xD0000000, s2;
	s6 =	simm.s32 $0x108;
	_ =	swait.ge @!p0 [sflag:s8], $0x0  }
0x24: {  	s3 =	sadd.s32 $0x88, s3;
	s6 =	simm.s32 @!p1 $0x1082;
	[sflag:s4] =	ssyncset.s32 $0xFFFFF086  }
0x25: {  	[simem:s6], [sflag:s4] =	dma.local [hbm:s3], $0xF7A  }
0x26: {  	[smem:$0x3F9E] =	sst s1;
	(tag) =	ssettag s2;
	_ =	strace s9  }
0x27: {  	s1 =	sld [smem:$0x3FAE]  }
0x28: {  	s2 =	sld [smem:$0x3FAF]  }
0x29: {  	s4 =	sld [smem:$0x3FB1]  }
0x2a: {  	p0 =	seq.s32 s5, $0x0;
	s5 =	sld [smem:$0x3FB2]  }
0x2b: {  	s6 =	sld [smem:$0x3FB3]  }
0x2c: {  	s7 =	sld [smem:$0x3FB4]  }
0x2d: {  	s3 =	simm.s32 $0x108;
	s8 =	sld [smem:$0x3FB5]  }
0x2e: {  	s3 =	simm.s32 @!p0 $0x1082;
	s9 =	sld [smem:$0x3FB6]  }
0x2f: {  	lr =	sadd.s32 s0, s3;
	s0 =	sld [smem:$0x3FAD]  }
0x30: {  	s3 =	sld [smem:$0x3FB0]  }
0x31: {  	[smem:$0x3FB9] =	sst s10  }
0x32: {  	s10 =	sld [smem:$0x3FB7];
	_ =	sdelay $0x3  }
0x33: {  	p0 =	seq.s32 s10, $0x1;
	s10 =	sld [smem:$0x3FB9];
	_ =	sdelay $0x3  }
0x34: {  	[smem:$0x3FB9] =	sst s10  }
0x35: {  	s10 =	sld [smem:$0x3FB8];
	_ =	sdelay $0x3  }
0x36: {  	p1 =	seq.s32 s10, $0x1;
	s10 =	sld [smem:$0x3FB9];
	_ =	sdelay $0x3  }
0x37: {  	[smem:$0x3FB9] =	sst s10  }
0x38: {  	s10 =	sld [smem:$0x3FBA]  }
0x39: {  	_ = 	snop;
	(pc) =	sbr.ind lr, $3  }
0x3a: {  	_ = 	snop  }
0x3b: {  	_ = 	snop  }
0x3c: {  	p2 =	seq.s32 s10, $0x1;
	s10 =	sld [smem:$0x3FB9]  }
0x3d: {  	_ =	shalt  }
0x3e: {  	_ =	shalt  }
0x3f: {  	_ =	shalt  }
0x40: {  	_ =	shalt  }
0x41: {  	_ =	shalt  }
0x42: {  	_ =	shalt  }
0x43: {  	_ =	shalt  }
0x44: {  	_ =	shalt  }
0x45: {  	_ =	shalt  }
0x46: {  	_ =	shalt  }
0x47: {  	_ =	shalt  }
0x48: {  	_ =	shalt  }
0x49: {  	_ =	shalt  }
0x4a: {  	_ =	shalt  }
0x4b: {  	_ =	shalt  }
0x4c: {  	_ =	shalt  }
0x4d: {  	_ =	shalt  }
0x4e: {  	_ =	shalt  }
0x4f: {  	_ =	shalt  }
0x50: {  	_ =	shalt  }
0x51: {  	_ =	shalt  }
0x52: {  	_ =	shalt  }
0x53: {  	_ =	shalt  }
0x54: {  	_ =	shalt  }
0x55: {  	_ =	shalt  }
0x56: {  	_ =	shalt  }
0x57: {  	_ =	shalt  }
0x58: {  	_ =	shalt  }
0x59: {  	_ =	shalt  }
0x5a: {  	_ =	shalt  }
0x5b: {  	_ =	shalt  }
0x5c: {  	_ =	shalt  }
0x5d: {  	_ =	shalt  }
0x5e: {  	_ =	shalt  }
0x5f: {  	_ =	shalt  }
0x60: {  	_ =	shalt  }
0x61: {  	_ =	shalt  }
0x62: {  	_ =	shalt  }
0x63: {  	_ =	shalt  }
0x64: {  	_ =	shalt  }
0x65: {  	_ =	shalt  }
0x66: {  	_ =	shalt  }
0x67: {  	_ =	shalt  }
0x68: {  	_ =	shalt  }
0x69: {  	_ =	shalt  }
0x6a: {  	_ =	shalt  }
0x6b: {  	_ =	shalt  }
0x6c: {  	_ =	shalt  }
0x6d: {  	_ =	shalt  }
0x6e: {  	_ =	shalt  }
0x6f: {  	_ =	shalt  }
0x70: {  	_ =	shalt  }
0x71: {  	_ =	shalt  }
0x72: {  	_ =	shalt  }
0x73: {  	_ =	shalt  }
0x74: {  	_ =	shalt  }
0x75: {  	_ =	shalt  }
0x76: {  	_ =	shalt  }
0x77: {  	_ =	shalt  }
0x78: {  	_ =	shalt  }
0x79: {  	_ =	shalt  }
0x7a: {  	_ =	shalt  }
0x7b: {  	_ =	shalt  }
0x7c: {  	_ =	shalt  }
0x7d: {  	_ =	shalt  }
0x7e: {  	_ =	shalt  }
0x7f: {  	_ =	shalt  }
0x80: {  	_ =	shalt  }
0x81: {  	_ =	shalt  }
0x82: {  	_ =	shalt  }
0x83: {  	_ =	shalt  }
0x84: {  	_ =	shalt  }
0x85: {  	_ =	shalt  }
0x86: {  	_ =	shalt  }
0x87: {  	_ =	shalt  }
.Lfunc_end0:
.L_simem_size_0:
called_computation_lowered:
.L_overlay_start_0:
0x88: {  	s2 =	sld [smem:$0x3FD9]  }
0x89: {  	s3 =	sld [smem:$0x3FFE];
	_ =	sdelay $0x1  }
0x8a: {  	s1 =	srdreg.scid  }
0x8b: {  	s0 =	sand.u32 $0x1, s1  }
0x8c: {  	s18 =	sshll.u32 s0, $0xA;
	s2 =	sadd.s32 s3, s2  }
0x8d: {  	s2 =	sadd.s32 s2, s18  }
0x8e: {  	[smem:$0x3FC5] =	sst s2  }
0x8f: {  	_ = 	snop  }
0x90: {  	s2 =	sld [smem:$0x3FC9]  }
0x91: {  	s19 =	sld [smem:$0x3FC8]  }
0x92: {  	s4 =	sld [smem:$0x3FC7]  }
0x93: {  	s5 =	sld [smem:$0x3FD0];
	(tm) =	ssettm $0x1  }
0x94: {  	s6 =	sld [smem:$0x3FFB];
	_ =	sdelay $0x3  }
0x95: {  	_ =	strace s6  }
0x96: {  	s6 =	sld [smem:$0x3FFC];
	_ =	sdelay $0x3  }
0x97: {  	_ =	strace s6  }
0x98: {  	s6 =	sld [smem:$0x3FFD];
	_ =	sdelay $0x3  }
0x99: {  	_ =	strace s6  }
0x9a: {  	_ =	strace $0x8FFFFFFF  }
0x9b: {  	s20 =	sld [smem:$0x3FDB];
	_ =	sdelay $0x1  }
0x9c: {  	s7 =	simm.s32 $_scs_section_size  }
0x9d: {  	s8 =	simm.s32 $_size__tile_overlayer_lowered;
	s9 =	simm.s32 $_tile_overlayer_lowered  }
0x9e: {  	s23 =	simm.s32 $0x1BFF;
	s22 =	sshll.u32 s9, $0x1;
	s6 =	sadd.s32 s7, s20  }
0x9f: {  	s10 =	simm.s32 $0x0;
	s21 =	sshll.u32 s8, $0x1;
	s8 =	sadd.s32 s22, s6  }
0xa0: {  	[timem:s10], [sflag:s23] =	dma.local [hbm:s8], s21  }
0xa1: {  	_ =	swait.ge [sflag:s23], s21  }
0xa2: {  	s7 =	ssub.s32 $0x0, s21;
	[sflag:s23] =	ssyncset.done $0x0  }
0xa3: {  	[sflag:s23] =	ssyncadd.s32 s7;
	_ =	sdelay $0x1  }
0xa4: {  	s24 =	simm.s32 $0x1B8B  }
0xa5: {  	_ =	swait.ge [sflag:s24], $0x1  }
0xa6: {  	[sflag:s24] =	ssyncset.done $0x0  }
0xa7: {  	s25 =	simm.s32 $0x1B8E;
	[sflag:s24] =	ssyncadd.s32 $0xFFFFFFFF  }
0xa8: {  	s26 =	simm.s32 $execute0_lowered;
	[smem:$0x3FD2] =	sst s25  }
0xa9: {  	s7 =	sshll.u32 s26, $0x1;
	_ =	strace $0x80000046;
	[dreg:$0x1] =	wrdreg $0xFFFFFFFF  }
0xaa: {  	s28 =	simm.s32 $_size_execute0_lowered;
	s6 =	sadd.s32 s6, s7;
	[dreg:$0x0] =	wrdreg $0x0  }
0xab: {  	s7 =	sshll.u32 s28, $0x1;
	[dreg:$0x2] =	wrdreg s6  }
0xac: {  	[dreg:$0x3] =	wrdreg s7  }
0xad: {  	[dreg:$0x4] =	wrdreg $0xC0  }
0xae: {  	_ =	task [dreg:s10], $0x5FFFF  }
0xaf: {  	[dreg:$0x1] =	wrdreg $0xFFFFFFFF  }
0xb0: {  	[dreg:$0x0] =	wrdreg $0x60  }
0xb1: {  	[dreg:$0x2] =	wrdreg s2  }
0xb2: {  	[dreg:$0x3] =	wrdreg s19  }
0xb3: {  	[dreg:$0x4] =	wrdreg s4  }
0xb4: {  	[dreg:$0x5] =	wrdreg s5  }
0xb5: {  	[dreg:$0x6] =	wrdreg $0x102000  }
0xb6: {  	[dreg:$0x7] =	wrdreg $0x9  }
0xb7: {  	_ =	task.clear_ibuf [dreg:s10], $0x8FFFF;
	_ =	strace $0x90000046  }
0xb8: {  	s29 =	simm.s32 $0x9;
	_ =	strace $0x80000048  }
0xb9: {  	_ =	swait.ge [sflag:s29], $0x1  }
0xba: {  	[sflag:s29] =	ssyncadd.s32 $0xFFFFFFFF  }
0xbb: {  	_ =	strace $0x90000048  }
0xbc: {  	_ =	sfence  }
0xbd: {  	s30 =	sld [smem:$0x0];
	_ =	sdelay $0x2  }
0xbe: {  	s31 =	sshll.u32 s1, $0xD;
	s1 =	sshrl.u32 s1, $0x2  }
0xbf: {  	s3 =	sand.u32 $0x4000, s31;
	s1 =	sadd.s32 s1, s30  }
0xc0: {  	s0 =	sor.u32 s3, s0;
	s1 =	sshll.u32 s1, $0x11  }
0xc1: {  	s0 =	sor.u32 s1, s0  }
0xc2: {  	s0 =	sadd.s32 $0x8F2B, s0  }
0xc3: {  	[sflag:s0] =	ssyncadd.remote.s32 $0x1  }
0xc4: {  	_ =	sfence.sel $0xFFFF  }
0xc5: {  	[dreg:$0x0] =	wrdreg $0xFFFFFFFF;
	(pc) =	sbr.abs _section_cstart, $3  }
0xc6: {  	[dreg:$0x1] =	wrdreg $0xFFFFFFFF  }
0xc7: {  	_ =	task.clear_ibuf [dreg:s10], $0x2FFFF;
	_ =	strace $0x9FFFFFFF  }
0xc8: {  	(tm) =	ssettm $0x7FFFFFFF  }
0xc9: {  	_ =	shalt  }
tec
execute0_lowered:
.L_overlay_start_1:
0x0: {  	(tag) =	ssettag $0x1  }
0x1: {  	s0 =	rddreg [dreg:$0x0]  }
0x2: {  	s2 =	rddreg [dreg:$0x1]  }
0x3: {  	s1 =	rddreg [dreg:$0x2]  }
0x4: {  	s4 =	rddreg [dreg:$0x3]  }
0x5: {  	s17 =	rddreg [dreg:$0x4];
	s5 =	srdreg.scid;
	s3 =	simm.s32 $0x0  }
0x6: {  	s6 =	stileid.u32;
	s31 =	simm.s32 $0x200;
	s5 =	sand.u32 $0x1, s5  }
0x7: {  	s8 =	sshll.u32 s6, $0xA;
	[smem:$0x7FF] =	sst s3;
	p0 =	sne.s32 s6, $0x0  }
0x8: {  	s29 =	sadd.s32 $0x20000, s17;
	s6 =	simm.s32 $0x2;
	s7 =	ssub.s32 $0x2, s5  }
0x9: {  	s9 =	sshll.u32 s5, $0x9;
	_ =	strace $0x80000047;
	s26 =	sshll.u32 s5, $0x11  }
0xa: {  	s30 =	sshll.u32 s5, $0xA;
	s5 =	sshll.u32 s5, $0x12;
	s10 =	sshrl.u32 s7, $0x1  }
0xb: {  	s8 =	sor.u32 s9, s8;
	s18 =	sadd.s32 s0, s26;
	s15 =	sor.u32 $0x200, s30  }
0xc: {  	s20 =	sor.u32 $0x280, s30;
	s21 =	sor.u32 $0x300, s30;
	s26 =	sadd.s32 $0x80, s4  }
0xd: {  	s7 =	ssub.s32 s7, s10;
	s9 =	sor.u32 $0x80, s8;
	s11 =	sshrl.u32 s8, $0x3  }
0xe: {  	s10 =	sor.u32 $0x100, s8;
	s16 =	sshll.u32 s15, $0x7;
	s23 =	sshll.u32 s20, $0x7  }
0xf: {  	s12 =	sshrl.u32 s9, $0x3;
	s19 =	sadd.s32 s2, s11;
	s11 =	sor.u32 $0x180, s8  }
0x10: {  	s13 =	sshrl.u32 s10, $0x3;
	s28 =	sadd.s32 s2, s12;
	s14 =	sshrl.u32 s11, $0x3  }
0x11: {  	s13 =	sadd.s32 s2, s13;
	s12 =	sor.u32 $0x380, s30;
	[dreg:$0x14] =	wrdreg s28  }
0x12: {  	s30 =	sshll.u32 s21, $0x8;
	[dreg:$0x13] =	wrdreg s13;
	s22 =	sadd.s32 s2, s14  }
0x13: {  	s2 =	sadd.s32 s0, s16;
	s16 =	sshll.u32 s21, $0x7;
	s14 =	sadd.s32 s0, s23  }
0x14: {  	s25 =	sshll.u32 s12, $0x7;
	s28 =	sshll.u32 s15, $0x8;
	s13 =	smov.u32 s18  }
0x15: {  	s12 =	sshll.u32 s12, $0x8;
	s15 =	sshll.u32 s8, $0x5;
	s21 =	sshll.u32 s11, $0x5  }
0x16: {  	s11 =	smov.u32 s17;
	s8 =	sadd.s32 $0x40000, s17;
	[dreg:$0x6] =	wrdreg s2  }
0x17: {  	[dreg:$0x7] =	wrdreg s14;
	s24 =	sadd.s32 s0, s16;
	s0 =	sadd.s32 s0, s25  }
0x18: {  	s14 =	sadd.s32 s28, s26;
	s2 =	sshll.u32 s20, $0x8;
	s12 =	sadd.s32 s12, s26  }
0x19: {  	s16 =	sadd.s32 s5, s4;
	s23 =	sadd.s32 s4, s15;
	[dreg:$0x8] =	wrdreg s24  }
0x1a: {  	s20 =	sshll.u32 s10, $0x5;
	s15 =	smov.u32 s22;
	[dreg:$0x9] =	wrdreg s0  }
0x1b: {  	s10 =	simm.s32 $0x100;
	s22 =	simm.s32 $0x8;
	[dreg:$0xa] =	wrdreg s14  }
0x1c: {  	s14 =	smov.u32 s19;
	s2 =	sadd.s32 s2, s26;
	[dreg:$0xd] =	wrdreg s12  }
0x1d: {  	s0 =	sadd.s32 s5, s26;
	s19 =	sshll.u32 s9, $0x5;
	s24 =	sadd.s32 s4, s20  }
0x1e: {  	s25 =	sadd.s32 $0x8080, s16;
	s28 =	sadd.s32 $0x10080, s16;
	[dreg:$0xb] =	wrdreg s2  }
0x1f: {  	s5 =	sadd.s32 $0x4000, s18;
	s9 =	simm.s32 $0x80;
	[dreg:$0xe] =	wrdreg s0  }
0x20: {  	s12 =	simm.s32 $0x1;
	s20 =	simm.s32 $0x3;
	[dreg:$0xf] =	wrdreg s25  }
0x21: {  	s2 =	sadd.s32 s30, s26;
	s26 =	sadd.s32 s4, s21;
	[dreg:$0x10] =	wrdreg s28  }
.Ltmp0:
0x22: {  	s0 =	sadd.s32 $0x18080, s16;
	s25 =	smax.u32 s7, $0x1;
	(pc) =	sbr.rel .LBB2_1-.Ltmp0, $4  }
0x23: {  	s30 =	sadd.s32 $0x60000, s17;
	s16 =	simm.s32 $0xC200;
	s7 =	simm.s32 $0x400  }
0x24: {  	s17 =	simm.s32 $0x800;
	s21 =	simm.s32 $0x4;
	[dreg:$0xc] =	wrdreg s2  }
0x25: {  	s2 =	sadd.s32 s4, s19;
	[dreg:$0x11] =	wrdreg s0;
	s4 =	sadd.s32 $0x8000, s18  }
0x26: {  	[dreg:$0x12] =	wrdreg s30;
	s18 =	sadd.s32 $0xC000, s18;
	s19 =	simm.s32 $0x180  }
.LBB2_3:
0x27: {  	_ =	swait.ge [sflag:s6], $0x4000  }
0x28: {  	[sflag:s6] =	ssyncset.done $0x0  }
0x29: {  	[sflag:s6] =	ssyncadd.s32 $0xFFFFC000  }
0x2a: {  	[hbm4b:s23+s7] =	stream.strided.scatter [tilespmem:s31], [sflag:$0x6], $0x4000, s17, s7, $0x38;
	[tilespmem:$0x18200] =	vst v63  }
0x2b: {  	_ =	swait.ge [sflag:s20], $0x4000  }
0x2c: {  	[sflag:s20] =	ssyncset.done $0x0  }
0x2d: {  	[sflag:s20] =	ssyncadd.s32 $0xFFFFC000  }
0x2e: {  	[hbm4b:s2+s7] =	stream.strided.scatter [tilespmem:s28], [sflag:$0x7], $0x4000, s17, s7, $0x38;
	[tilespmem:$0x18200] =	vst v63  }
0x2f: {  	_ =	swait.ge [sflag:s21], $0x4000  }
0x30: {  	[sflag:s21] =	ssyncset.done $0x0  }
0x31: {  	s16 =	simm.s32 $0x5;
	[sflag:s21] =	ssyncadd.s32 $0xFFFFC000  }
0x32: {  	[hbm4b:s24+s7] =	stream.strided.scatter [tilespmem:s30], [sflag:$0x8], $0x4000, s17, s7, $0x38;
	[tilespmem:$0x18200] =	vst v63  }
0x33: {  	_ =	swait.ge [sflag:s16], $0x4000  }
0x34: {  	[sflag:s16] =	ssyncset.done $0x0  }
0x35: {  	[sflag:s16] =	ssyncadd.s32 $0xFFFFC000;
	s16 =	simm.s32 $0x6  }
0x36: {  	[hbm4b:s26+s7] =	stream.strided.scatter [tilespmem:s0], [sflag:$0x9], $0x4000, s17, s7, $0x38;
	[tilespmem:$0x18200] =	vst v63  }
0x37: {  	_ =	swait.ge [sflag:s16], $0x4000  }
0x38: {  	[sflag:s16] =	ssyncset.done $0x0  }
0x39: {  	s28 =	simm.s32 $0x7;
	[sflag:s16] =	ssyncadd.s32 $0xFFFFC000  }
0x3a: {  	_ =	swait.ge [sflag:s28], $0x4000  }
0x3b: {  	[sflag:s28] =	ssyncset.done $0x0  }
0x3c: {  	[sflag:s28] =	ssyncadd.s32 $0xFFFFC000  }
0x3d: {  	_ =	swait.ge [sflag:s22], $0x4000  }
0x3e: {  	[sflag:s22] =	ssyncset.done $0x0  }
0x3f: {  	s30 =	simm.s32 $0x9;
	[sflag:s22] =	ssyncadd.s32 $0xFFFFC000  }
0x40: {  	_ =	swait.ge [sflag:s30], $0x4000  }
0x41: {  	[sflag:s30] =	ssyncset.done $0x0  }
0x42: {  	s0 =	simm.s32 @!p0 $0xE;
	[sflag:s30] =	ssyncadd.s32 $0xFFFFC000  }
0x43: {  	_ =	swait.ge @!p0 [sflag:s0], $0x4000  }
0x44: {  	[sflag:s0] =	ssyncset.done @!p0 $0x0  }
0x45: {  	[sflag:s0] =	ssyncadd.s32 @!p0 $0xFFFFC000;
	s0 =	simm.s32 @!p0 $0xF  }
0x46: {  	_ =	swait.ge @!p0 [sflag:s0], $0x4000  }
0x47: {  	[sflag:s0] =	ssyncset.done @!p0 $0x0  }
0x48: {  	s25 =	sadd.s32 $0xFFFFFFFF, s25;
	[sflag:s0] =	ssyncadd.s32 @!p0 $0xFFFFC000;
	s0 =	simm.s32 @!p0 $0x10  }
0x49: {  	p1 =	sne.s32 s25, $0x0;
	_ =	swait.ge @!p0 [sflag:s0], $0x4000  }
.Ltmp1:
0x4a: {  	[sflag:s0] =	ssyncset.done @!p0 $0x0;
	(pc) =	sbr.rel @!p1 .LBB2_4-.Ltmp1, $4  }
0x4b: {  	[sflag:s0] =	ssyncadd.s32 @!p0 $0xFFFFC000;
	s0 =	simm.s32 @!p0 $0x11  }
0x4c: {  	_ =	swait.ge @!p0 [sflag:s0], $0x4000  }
0x4d: {  	[sflag:s0] =	ssyncset.done @!p0 $0x0  }
0x4e: {  	s16 =	simm.s32 $0xC200;
	[sflag:s0] =	ssyncadd.s32 @!p0 $0xFFFFC000  }
.LBB2_1:
0x4f: {  	s28 =	sshrl.u32 @!p0 s11, $0x3;
	s30 =	simm.s32 @!p0 $0x1C0A  }
0x50: {  	[spmem:s28], [sflag:s30] =	dma.local @!p0 [hbm:s13], $0x4000  }
0x51: {  	s28 =	sshrl.u32 @!p0 s29, $0x3;
	s30 =	simm.s32 @!p0 $0x1C0B  }
0x52: {  	[spmem:s28], [sflag:s30] =	dma.local @!p0 [hbm:s5], $0x4000  }
0x53: {  	s28 =	sshrl.u32 @!p0 s8, $0x3;
	s30 =	simm.s32 @!p0 $0x1C0C  }
0x54: {  	[spmem:s28], [sflag:s30] =	dma.local @!p0 [hbm:s4], $0x4000  }
0x55: {  	s0 =	rddreg [dreg:$0x12]  }
0x56: {  	s30 =	simm.s32 @!p0 $0x1C0D;
	s28 =	sshrl.u32 @!p0 s0, $0x3  }
0x57: {  	[spmem:s28], [sflag:s30] =	dma.local @!p0 [hbm:s18], $0x4000  }
0x58: {  	[tilespmem:s3], [sflag:$0x1] =	stream.linear.gather [hbm4b:s14+s3], $0x80, $0x38;
	[tilespmem:$0x18200] =	vst v63  }
0x59: {  	s0 =	rddreg [dreg:$0x14]  }
0x5a: {  	[tilespmem:s9], [sflag:$0x1] =	stream.linear.gather [hbm4b:s0+s3], $0x80, $0x38;
	[tilespmem:$0x18200] =	vst v63  }
0x5b: {  	s0 =	rddreg [dreg:$0x13]  }
0x5c: {  	[tilespmem:s10], [sflag:$0x1] =	stream.linear.gather [hbm4b:s0+s3], $0x80, $0x38;
	[tilespmem:$0x18200] =	vst v63  }
0x5d: {  	_ = 	snop  }
0x5e: {  	[tilespmem:s19], [sflag:$0x1] =	stream.linear.gather [hbm4b:s15+s3], $0x80, $0x38;
	[tilespmem:$0x18200] =	vst v63  }
0x5f: {  	_ =	swait.ge [sflag:s12], $0x80  }
0x60: {  	[sflag:s12] =	ssyncset.done $0x0  }
0x61: {  	[sflag:s12] =	ssyncadd.s32 $0xFFFFFF80  }
0x62: {  	_ =	swait.ge [sflag:s12], $0x80  }
0x63: {  	[sflag:s12] =	ssyncset.done $0x0  }
0x64: {  	[sflag:s12] =	ssyncadd.s32 $0xFFFFFF80  }
0x65: {  	_ =	swait.ge [sflag:s12], $0x80  }
0x66: {  	[sflag:s12] =	ssyncset.done $0x0  }
0x67: {  	[sflag:s12] =	ssyncadd.s32 $0xFFFFFF80  }
0x68: {  	_ =	swait.ge [sflag:s12], $0x80  }
0x69: {  	[sflag:s12] =	ssyncset.done $0x0  }
0x6a: {  	[sflag:s12] =	ssyncadd.s32 $0xFFFFFF80  }
0x6b: {  	[tilespmem:s31], [sflag:$0x2] =	stream.indirect.gather [hbm4b:s1+s9], $0x80, s3, s9, $0xb8;
	[tilespmem:$0x18200] =	vst v63  }
0x6c: {  	s28 =	simm.s32 $0x4200  }
0x6d: {  	[tilespmem:s28], [sflag:$0x3] =	stream.indirect.gather [hbm4b:s1+s9], $0x80, s9, s9, $0xb8;
	[tilespmem:$0x18200] =	vst v63  }
.Ltmp2:
0x6e: {  	_ = 	snop;
	(pc) =	sbr.rel @p0 .LBB2_3-.Ltmp2, $4  }
0x6f: {  	s30 =	simm.s32 $0x8200  }
0x70: {  	[tilespmem:s30], [sflag:$0x4] =	stream.indirect.gather [hbm4b:s1+s9], $0x80, s10, s9, $0xb8;
	[tilespmem:$0x18200] =	vst v63  }
0x71: {  	s0 =	simm.s32 $0xC200  }
0x72: {  	[tilespmem:s16], [sflag:$0x5] =	stream.indirect.gather [hbm4b:s1+s9], $0x80, s19, s9, $0xb8;
	[tilespmem:$0x18200] =	vst v63  }
0x73: {  	s20 =	simm.s32 $0xA  }
0x74: {  	_ =	swait.ge [sflag:s20], $0x4000  }
0x75: {  	s28 =	sshrl.u32 s11, $0x3;
	[sflag:s20] =	ssyncset.done $0x0  }
0x76: {  	s3 =	simm.s32 $0x1C0E;
	s0 =	rddreg [dreg:$0xe];
	[sflag:s20] =	ssyncadd.s32 $0xFFFFC000  }
0x77: {  	[hbm:s0@s10], [sflag:s3] =	dma.strided [spmem:s28@s9], $0x4000, s22, $0x10   }
0x78: {  	s3 =	simm.s32 $0xE  }
0x79: {  	_ =	swait.ge [sflag:s3], $0x4000  }
0x7a: {  	s16 =	simm.s32 $0x1C0A;
	[sflag:s3] =	ssyncset.done $0x0  }
0x7b: {  	s21 =	simm.s32 $0xB;
	s6 =	rddreg [dreg:$0x6];
	[sflag:s3] =	ssyncadd.s32 $0xFFFFC000  }
0x7c: {  	[spmem:s28], [sflag:s16] =	dma.local [hbm:s6], $0x4000  }
0x7d: {  	_ =	swait.ge [sflag:s21], $0x4000  }
0x7e: {  	s30 =	sshrl.u32 s29, $0x3;
	s17 =	simm.s32 $0xF;
	[sflag:s21] =	ssyncset.done $0x0  }
0x7f: {  	s16 =	simm.s32 $0x1C0F;
	s7 =	rddreg [dreg:$0xf];
	[sflag:s21] =	ssyncadd.s32 $0xFFFFC000  }
0x80: {  	[hbm:s7@s10], [sflag:s16] =	dma.strided [spmem:s30@s9], $0x4000, s22, $0x10   }
0x81: {  	_ =	swait.ge [sflag:s17], $0x4000  }
0x82: {  	s0 =	sshrl.u32 s8, $0x3;
	[sflag:s17] =	ssyncset.done $0x0  }
0x83: {  	s3 =	simm.s32 $0x1C0B;
	s19 =	rddreg [dreg:$0x7];
	[sflag:s17] =	ssyncadd.s32 $0xFFFFC000  }
0x84: {  	[spmem:s30], [sflag:s3] =	dma.local [hbm:s19], $0x4000  }
0x85: {  	s16 =	simm.s32 $0x1C10;
	s17 =	simm.s32 $0xC;
	s19 =	smov.u32 s18  }
0x86: {  	s18 =	smov.u32 s4;
	s4 =	smov.u32 s8;
	_ =	swait.ge [sflag:s17], $0x4000  }
0x87: {  	s8 =	smov.u32 s5;
	s5 =	smov.u32 s1;
	[sflag:s17] =	ssyncset.done $0x0  }
0x88: {  	s1 =	smov.u32 s29;
	s29 =	rddreg [dreg:$0x10];
	[sflag:s17] =	ssyncadd.s32 $0xFFFFC000  }
0x89: {  	[hbm:s29@s10], [sflag:s16] =	dma.strided [spmem:s0@s9], $0x4000, s22, $0x10   }
0x8a: {  	s29 =	simm.s32 $0x10  }
0x8b: {  	_ =	swait.ge [sflag:s29], $0x4000  }
0x8c: {  	[sflag:s29] =	ssyncset.done $0x0  }
0x8d: {  	s6 =	rddreg [dreg:$0x8];
	[sflag:s29] =	ssyncadd.s32 $0xFFFFC000;
	s29 =	simm.s32 $0x1C0C  }
0x8e: {  	[spmem:s0], [sflag:s29] =	dma.local [hbm:s6], $0x4000  }
0x8f: {  	s31 =	smov.u32 s26;
	s26 =	smov.u32 s2;
	s6 =	simm.s32 $0xD  }
0x90: {  	s2 =	smov.u32 s23;
	s23 =	smov.u32 s15;
	_ =	swait.ge [sflag:s6], $0x4000  }
0x91: {  	s15 =	smov.u32 s14;
	s14 =	smov.u32 s13;
	s7 =	rddreg [dreg:$0x12]  }
0x92: {  	s13 =	smov.u32 s11;
	[sflag:s6] =	ssyncset.done $0x0;
	s29 =	rddreg [dreg:$0x11]  }
0x93: {  	[sflag:s6] =	ssyncadd.s32 $0xFFFFC000;
	s11 =	sshrl.u32 s7, $0x3;
	s7 =	simm.s32 $0x1C11  }
0x94: {  	[hbm:s29@s10], [sflag:s7] =	dma.strided [spmem:s11@s9], $0x4000, s22, $0x10   }
0x95: {  	s29 =	simm.s32 $0x11  }
0x96: {  	_ =	swait.ge [sflag:s29], $0x4000  }
0x97: {  	s3 =	simm.s32 $0x1C0D;
	[sflag:s29] =	ssyncset.done $0x0  }
0x98: {  	[sflag:s29] =	ssyncadd.s32 $0xFFFFC000;
	s29 =	smov.u32 s24;
	s24 =	rddreg [dreg:$0x9]  }
0x99: {  	[spmem:s11], [sflag:s3] =	dma.local [hbm:s24], $0x4000  }
0x9a: {  	_ =	swait.ge [sflag:s20], $0x4000  }
0x9b: {  	[sflag:s20] =	ssyncset.done $0x0  }
0x9c: {  	s3 =	simm.s32 $0x1C0E;
	s24 =	rddreg [dreg:$0xa];
	[sflag:s20] =	ssyncadd.s32 $0xFFFFC000  }
0x9d: {  	[hbm:s24@s10], [sflag:s3] =	dma.strided [spmem:s28@s9], $0x4000, s22, $0x10   }
0x9e: {  	_ =	swait.ge [sflag:s21], $0x4000  }
0x9f: {  	s20 =	simm.s32 $0x3;
	[sflag:s21] =	ssyncset.done $0x0  }
0xa0: {  	s3 =	simm.s32 $0x1C0F;
	s24 =	rddreg [dreg:$0xb];
	[sflag:s21] =	ssyncadd.s32 $0xFFFFC000  }
0xa1: {  	[hbm:s24@s10], [sflag:s3] =	dma.strided [spmem:s30@s9], $0x4000, s22, $0x10   }
0xa2: {  	s28 =	simm.s32 $0x4200;
	s21 =	simm.s32 $0x4;
	_ =	swait.ge [sflag:s17], $0x4000  }
0xa3: {  	s3 =	simm.s32 $0x0;
	s30 =	simm.s32 $0x8200;
	[sflag:s17] =	ssyncset.done $0x0  }
0xa4: {  	s24 =	rddreg [dreg:$0xc];
	[sflag:s17] =	ssyncadd.s32 $0xFFFFC000;
	s17 =	simm.s32 $0x800  }
0xa5: {  	[hbm:s24@s10], [sflag:s16] =	dma.strided [spmem:s0@s9], $0x4000, s22, $0x10   }
0xa6: {  	s24 =	smov.u32 s29;
	s29 =	smov.u32 s1;
	s1 =	smov.u32 s5  }
0xa7: {  	s5 =	smov.u32 s8;
	s8 =	smov.u32 s4;
	s4 =	smov.u32 s18  }
0xa8: {  	s18 =	smov.u32 s19;
	s19 =	simm.s32 $0x180;
	_ =	swait.ge [sflag:s6], $0x4000  }
0xa9: {  	s0 =	simm.s32 $0xC200;
	[sflag:s6] =	ssyncset.done $0x0;
	s16 =	rddreg [dreg:$0xd]  }
.Ltmp3:
0xaa: {  	[sflag:s6] =	ssyncadd.s32 $0xFFFFC000;
	s6 =	simm.s32 $0x2;
	(pc) =	sbr.rel .LBB2_3-.Ltmp3, $4  }
0xab: {  	[hbm:s16@s10], [sflag:s7] =	dma.strided [spmem:s11@s9], $0x4000, s22, $0x10   }
0xac: {  	s7 =	simm.s32 $0x400;
	s11 =	smov.u32 s13;
	s13 =	smov.u32 s14  }
0xad: {  	s14 =	smov.u32 s15;
	s15 =	smov.u32 s23;
	s23 =	smov.u32 s2  }
0xae: {  	s2 =	smov.u32 s26;
	s26 =	smov.u32 s31;
	s31 =	simm.s32 $0x200  }
.LBB2_4:
0xaf: {  	_ =	sfence.sel $0x180000  }
0xb0: {  	[bflag:$0x0] =	sbarrier.arrive $0xFFFF  }
0xb1: {  	_ =	strace $0x90000047  }
0xb2: {  	[bflag:$0x2] =	sbarrier.arrive $0xFFFF  }
0xb3: {  	s0 =	rddreg [dreg:$0x5]  }
0xb4: {  	s0 =	sadd.s32 @!p0 $0x100000, s0  }
0xb5: {  	[sflag:s0] =	ssyncadd.tile.s32 @!p0 $0x1;
	_ =	shalt  }
.Lfunc_end2:
_tile_overlayer_lowered:
.L_overlay_start_2:
0xb6: {  	(tag) =	ssettag $0x2  }
0xb7: {  	s0 =	rddreg [dreg:$0x0];
	s2 =	stileid.u32  }
0xb8: {  	s1 =	rddreg [dreg:$0x1];
	p0 =	sne.s32 s2, $0x0  }
0xb9: {  	s3 =	rddreg [dreg:$0x2];
	[bflag:$0x3] =	sbarrier.arrive $0xFFFF;
	s2 =	simm.s32 @!p0 $0x1C12  }
0xba: {  	[timem:s3], [sflag:s2] =	dma.local @!p0 [hbm:s0], s1  }
0xbb: {  	s0 =	simm.s32 @!p0 $0x12  }
0xbc: {  	_ =	swait.ge @!p0 [sflag:s0], s1  }
0xbd: {  	s1 =	ssub.s32 @!p0 $0x0, s1;
	[sflag:s0] =	ssyncset.done @!p0 $0x0  }
0xbe: {  	[sflag:s0] =	ssyncadd.s32 @!p0 s1  }
0xbf: {  	[bflag:$0x3] =	sbarrier.arrive $0xFFFF  }
0xc0: {  	_ =	shalt  }

</sc_bundles>
